<compile_context>
chip_gen: v7x
topology: tpu7x:2x2x1
jax: 0.10.2.dev20260603
libtpu: 0.0.44.dev20260713+nightly
codegen_flags: <defaults>
</compile_context>

<pallas_src>
import functools

import jax
import jax.numpy as jnp
from jax import lax
from jax.experimental import pallas as pl
from jax.experimental.pallas import tpu as pltpu
from jax.experimental.pallas import tpu_sc as plsc

N_TOK = 8192
D = 2048
E = 64
F = 64

T = 64
NPAD = N_TOK + E * T
NTILES = NPAD // T

NC = 2
NS = 16
NW = NC * NS
DUMP = 8

_f32 = jnp.float32
_i32 = jnp.int32



_ROUTE_BLK = 1024
_NB = N_TOK // _ROUTE_BLK


def _route_body(x_ref, rb_ref, rt_ref, prob_ref, ppos_ref, te_ref,
                eidx_s, rank_s, cnt_s):
    ph = pl.program_id(0)
    j = pl.program_id(1)
    B = _ROUTE_BLK

    @pl.when((ph == 0) & (j == 0))
    def _():
        cnt_s[...] = jnp.zeros_like(cnt_s)

    @pl.when(ph == 0)
    def _():
        xr = x_ref[...] - rb_ref[...]
        logits = jnp.dot(xr, rt_ref[...], preferred_element_type=_f32)
        m = jnp.max(logits, axis=-1, keepdims=True)
        un = jnp.exp(logits - m)
        p = un / jnp.sum(un, axis=-1, keepdims=True)
        e = jnp.argmax(p, axis=-1).astype(_i32)[:, None]
        pr = jnp.max(p, axis=-1, keepdims=True)
        hot = (e == lax.broadcasted_iota(_i32, (B, E), 1)).astype(_f32)
        ri = lax.broadcasted_iota(_i32, (B, B), 0)
        ci = lax.broadcasted_iota(_i32, (B, B), 1)
        lower = (ci < ri).astype(_f32)
        before = jnp.dot(lower, hot, preferred_element_type=_f32,
                         precision=lax.Precision.HIGHEST)
        rank = (jnp.sum(hot * before, axis=1, keepdims=True)
                + jnp.sum(hot * cnt_s[...], axis=1, keepdims=True))
        rank_s[pl.ds(j * B, B), :] = rank
        eidx_s[pl.ds(j * B, B), :] = e
        cnt_s[...] = cnt_s[...] + jnp.sum(hot, axis=0, keepdims=True)
        prob_ref[...] = pr

    @pl.when(ph == 1)
    def _():
        e = eidx_s[pl.ds(j * B, B), :]
        hot = (e == lax.broadcasted_iota(_i32, (B, E), 1)).astype(_f32)
        c = cnt_s[...]
        tiles = jnp.floor((c + float(T - 1)) * (1.0 / T))
        ui = lax.broadcasted_iota(_i32, (E, E), 0)
        uj = lax.broadcasted_iota(_i32, (E, E), 1)
        upper = (ui < uj).astype(_f32)
        tstart = jnp.dot(tiles, upper, preferred_element_type=_f32,
                         precision=lax.Precision.HIGHEST)
        pstart = tstart * float(T)
        ppos = jnp.sum(hot * pstart, axis=1, keepdims=True) \
            + rank_s[pl.ds(j * B, B), :]
        ppos_ref[...] = ppos.astype(_i32)
        ki = lax.broadcasted_iota(_i32, (NTILES, E), 0).astype(_f32)
        te_ref[...] = (jnp.sum((ki >= tstart).astype(_f32), axis=1,
                               keepdims=True) - 1.0).astype(_i32)


_route = pl.pallas_call(
    _route_body,
    grid=(2, _NB),
    in_specs=[
        pl.BlockSpec((_ROUTE_BLK, D), lambda ph, j: (jnp.where(ph == 0, j, 0), 0)),
        pl.BlockSpec((1, D), lambda ph, j: (0, 0)),
        pl.BlockSpec((D, E), lambda ph, j: (0, 0)),
    ],
    out_specs=[
        pl.BlockSpec((_ROUTE_BLK, 1), lambda ph, j: (jnp.where(ph == 0, j, _NB), 0)),
        pl.BlockSpec((_ROUTE_BLK, 1), lambda ph, j: (j, 0)),
        pl.BlockSpec((NTILES, 1), lambda ph, j: (0, 0)),
    ],
    out_shape=[
        jax.ShapeDtypeStruct((N_TOK + _ROUTE_BLK, 1), _f32),
        jax.ShapeDtypeStruct((N_TOK, 1), _i32),
        jax.ShapeDtypeStruct((NTILES, 1), _i32),
    ],
    scratch_shapes=[
        pltpu.VMEM((N_TOK, 1), _i32),
        pltpu.VMEM((N_TOK, 1), _f32),
        pltpu.VMEM((1, E), _f32),
    ],
)



def _expert_body(te_ref, xs_ref, enc_ref, dec_ref, prob_ref, pb_ref, out_ref):
    x = xs_ref[...]
    lat = jnp.maximum(jnp.dot(x, enc_ref[0], preferred_element_type=_f32), 0.0)
    rec = jnp.dot(lat, dec_ref[0], preferred_element_type=_f32)
    out_ref[...] = prob_ref[0] * rec + pb_ref[...]


_expert_mm = pl.pallas_call(
    _expert_body,
    grid_spec=pltpu.PrefetchScalarGridSpec(
        num_scalar_prefetch=1,
        grid=(NTILES,),
        in_specs=[
            pl.BlockSpec((T, D), lambda i, te: (i, 0)),
            pl.BlockSpec((1, D, F), lambda i, te: (te[i], 0, 0)),
            pl.BlockSpec((1, F, D), lambda i, te: (te[i], 0, 0)),
            pl.BlockSpec((1, T, 1), lambda i, te: (i, 0, 0)),
            pl.BlockSpec((1, D), lambda i, te: (0, 0)),
        ],
        out_specs=pl.BlockSpec((T, D), lambda i, te: (i, 0)),
    ),
    out_shape=jax.ShapeDtypeStruct((NPAD, D), _f32),
)




def _make_row_scatter(src_rows, out_rows, chunk):
    rows_pw = src_rows // NW
    nch = rows_pw // chunk
    mesh = plsc.VectorSubcoreMesh(core_axis_name="c", subcore_axis_name="s")

    @functools.partial(
        pl.kernel,
        mesh=mesh,
        out_type=jax.ShapeDtypeStruct((out_rows, D), _f32),
        scratch_types=[
            pltpu.VMEM((nch, chunk), _i32),
            pltpu.VMEM((chunk, D), _f32),
            pltpu.SemaphoreType.DMA,
        ],
    )
    def scatter_rows(src_hbm, idx_hbm, out_hbm, idx_v, rows_v, sem):
        wid = lax.axis_index("s") * NC + lax.axis_index("c")
        base = wid * rows_pw
        pltpu.sync_copy(idx_hbm.at[wid], idx_v)

        def body(j, carry):
            pltpu.sync_copy(src_hbm.at[pl.ds(base + j * chunk, chunk)], rows_v)
            pltpu.async_copy(rows_v, out_hbm.at[idx_v.at[j]], sem).wait()
            return carry

        lax.fori_loop(0, nch, body, 0)

    return scatter_rows


@functools.lru_cache(maxsize=1)
def _sc_kernels():
    sc_group = _make_row_scatter(N_TOK, NPAD, 32)
    sc_scatter = _make_row_scatter(NPAD, N_TOK + DUMP, 32)
    return sc_group, sc_scatter



def kernel(activations, pre_b, enc, dec, router_b, router):
    x = activations
    prob2, ppos2, te2 = _route(x, router_b.reshape(1, D), router)
    ppos = ppos2[:, 0]
    tile_expert = te2[:, 0]
    dst = (N_TOK + (jnp.arange(NPAD, dtype=_i32) % DUMP)).at[ppos].set(
        jnp.arange(N_TOK, dtype=_i32))
    prob_g = jnp.zeros((NPAD,), _f32).at[ppos].set(prob2[:N_TOK, 0])
    prob3 = prob_g.reshape(NTILES, T, 1)

    sc_group, sc_scatter = _sc_kernels()
    xs = sc_group(x, ppos.reshape(NW, N_TOK // NW // 32, 32))
    rec = _expert_mm(tile_expert, xs, enc, dec, prob3, pre_b.reshape(1, D))
    out_full = sc_scatter(rec, dst.reshape(NW, NPAD // NW // 32, 32))
    return out_full[:N_TOK]

# --- scband reference (transcript-rebuilt; emitter-appended) ---
"""Pipeline reference for scband-switch-sae-44229573214857 (READ-ONLY COPY).

The authoritative reference and input builder live on the scoring server;
editing this copy changes nothing except your own understanding.
"""

import jax, jax.numpy as jnp
import numpy as np

N_TOKENS = 8192
D_IN = 2048
N_EXPERTS = 64
EXPERT_DIM = 64  # n_features 4096 // n_experts 64


def setup_inputs(seed: int = 0) -> dict:
    key = jax.random.key(seed)
    ks = jax.random.split(key, 6)
    activations = jax.random.normal(ks[0], (N_TOKENS, D_IN), dtype=jnp.float32)
    pre_b = jax.random.normal(ks[1], (D_IN,), dtype=jnp.float32) * 0.01
    enc = jax.random.normal(ks[2], (N_EXPERTS, D_IN, EXPERT_DIM), dtype=jnp.float32) / (2 ** 0.5) / (D_IN ** 0.5)
    dec = jax.random.normal(ks[3], (N_EXPERTS, EXPERT_DIM, D_IN), dtype=jnp.float32) / (EXPERT_DIM ** 0.5)
    router_b = jax.random.normal(ks[4], (D_IN,), dtype=jnp.float32) * 0.01
    router = jax.random.normal(ks[5], (D_IN, N_EXPERTS), dtype=jnp.float32) / (D_IN ** 0.5)
    return {
        "activations": activations,
        "pre_b": pre_b,
        "enc": enc,
        "dec": dec,
        "router_b": router_b,
        "router": router,
    }


def reference(activations, pre_b, enc, dec, router_b, router):
    # Router: softmax over experts, top-1 (switch) routing
    logits = (activations - router_b) @ router
    probs = jax.nn.softmax(logits, axis=-1)
    expert_max_prob = jnp.max(probs, axis=-1)
    expert_idx = jnp.argmax(probs, axis=-1)

    full_recons = jnp.zeros_like(activations)
    full_latent = jnp.zeros((activations.shape[0], EXPERT_DIM), dtype=activations.dtype)

    for expert_id in range(N_EXPERTS):
        mask = (expert_idx == expert_id)[:, None]
        latent = jax.nn.relu(activations @ enc[expert_id])
        reconstruction = latent @ dec[expert_id]
        full_latent = jnp.where(mask, latent, full_latent)
        full_recons = jnp.where(mask, reconstruction, full_recons)

    full_recons = expert_max_prob[:, None] * full_recons + pre_b
    # torch forward() returns only recons
    return full_recons

if __name__ == "__main__":
    import jax
    _d = setup_inputs()
    print(jax.jit(kernel)(*tuple(_d.values())))

</pallas_src>

<mosaic_0001>
#map = affine_map<(d0, d1) -> (0, 0)>
#map1 = affine_map<(d0, d1) -> (0, 0, 0)>
module attributes {stable_mosaic.version = 14 : i64} {
  func.func @scatter_rows(%arg0: i32, %arg1: i32, %arg2: memref<12288x2048xf32, #tpu.memory_space<hbm>>, %arg3: memref<32x12x32xi32, #tpu.memory_space<hbm>>, %arg4: memref<8200x2048xf32, #tpu.memory_space<hbm>>, %arg5: memref<12x32xi32, #tpu.memory_space<vmem>>, %arg6: memref<32x2048xf32, #tpu.memory_space<vmem>>, %arg7: memref<!tpu.dma_semaphore, #tpu.memory_space<semaphore_mem>>) attributes {dimension_semantics = [#tpu.dimension_semantics<core_parallel>, #tpu.dimension_semantics<subcore_parallel>], iteration_bounds = array<i64: 2, 16>, scalar_prefetch = 0 : i64, scratch_operands = 3 : i64, tpu.core_type = #tpu.core_type<sc_vector_subcore>, window_params = [{transform_indices = #map}, {transform_indices = #map1}, {transform_indices = #map}]} {
    %mul3A = arith.constant 2 : i32
    %mul3A_0 = arith.muli %arg1, %mul3A : i32
    %add3A = arith.addi %mul3A_0, %arg0 : i32
    %mul3A_1 = arith.constant 384 : i32
    %mul3A_2 = arith.muli %add3A, %mul3A_1 : i32
    "tpu.region"() ({
      %run_scoped3A = tpu.sem_alloc : memref<!tpu.dma_semaphore, #tpu.memory_space<semaphore_mem>>
      %dma_start3A = arith.constant 0 : i32
      %dma_start3A_8 = arith.constant 0 : i32
      %dma_start3A_9 = tpu.memref_slice %arg3[%add3A, %dma_start3A, %dma_start3A_8] : memref<32x12x32xi32, #tpu.memory_space<hbm>> -> memref<1x12x32xi32, #tpu.memory_space<hbm>>
      %dma_start3A_10 = tpu.memref_squeeze %dma_start3A_9 : memref<1x12x32xi32, #tpu.memory_space<hbm>> -> memref<12x32xi32, #tpu.memory_space<hbm>>
      %dma_start3A_11 = arith.constant 0 : i32
      %dma_start3A_12 = arith.constant 0 : i32
      %dma_start3A_13 = tpu.memref_slice %arg3[%add3A, %dma_start3A_11, %dma_start3A_12] : memref<32x12x32xi32, #tpu.memory_space<hbm>> -> memref<1x12x32xi32, #tpu.memory_space<hbm>>
      %dma_start3A_14 = tpu.memref_squeeze %dma_start3A_13 : memref<1x12x32xi32, #tpu.memory_space<hbm>> -> memref<12x32xi32, #tpu.memory_space<hbm>>
      tpu.enqueue_dma source(%dma_start3A_14 : memref<12x32xi32, #tpu.memory_space<hbm>>) target(%arg5 : memref<12x32xi32, #tpu.memory_space<vmem>>) target_semaphore(%run_scoped3A : memref<!tpu.dma_semaphore, #tpu.memory_space<semaphore_mem>>)
      %dma_wait3A = arith.constant 0 : i32
      %dma_wait3A_15 = arith.constant 0 : i32
      %dma_wait3A_16 = tpu.memref_slice %arg3[%add3A, %dma_wait3A, %dma_wait3A_15] : memref<32x12x32xi32, #tpu.memory_space<hbm>> -> memref<1x12x32xi32, #tpu.memory_space<hbm>>
      %dma_wait3A_17 = tpu.memref_squeeze %dma_wait3A_16 : memref<1x12x32xi32, #tpu.memory_space<hbm>> -> memref<12x32xi32, #tpu.memory_space<hbm>>
      %dma_wait3A_18 = arith.constant 0 : i32
      %dma_wait3A_19 = arith.constant 0 : i32
      %dma_wait3A_20 = tpu.memref_slice %arg3[%add3A, %dma_wait3A_18, %dma_wait3A_19] : memref<32x12x32xi32, #tpu.memory_space<hbm>> -> memref<1x12x32xi32, #tpu.memory_space<hbm>>
      %dma_wait3A_21 = tpu.memref_squeeze %dma_wait3A_20 : memref<1x12x32xi32, #tpu.memory_space<hbm>> -> memref<12x32xi32, #tpu.memory_space<hbm>>
      tpu.wait_dma2 semaphore(%run_scoped3A : memref<!tpu.dma_semaphore, #tpu.memory_space<semaphore_mem>>) src(%dma_wait3A_21 : memref<12x32xi32, #tpu.memory_space<hbm>>) dst(%arg5 : memref<12x32xi32, #tpu.memory_space<vmem>>)
      tpu.yield
    }) : () -> ()
    %scan3A = arith.constant 0 : i32
    %scan3A_3 = arith.constant 0 : i32
    %scan3A_4 = arith.constant 12 : i32
    %scan3A_5 = arith.addi %scan3A_3, %scan3A_4 : i32
    %scan3A_6 = arith.constant 1 : i32
    scf.for %scan3A_8 = %scan3A_3 to %scan3A_5 step %scan3A_6  : i32 {
      %mul3A_9 = arith.constant 32 : i32
      %mul3A_10 = arith.muli %scan3A_8, %mul3A_9 : i32
      %add3A_11 = arith.addi %mul3A_2, %mul3A_10 : i32
      "tpu.region"() ({
        %run_scoped3A = tpu.sem_alloc : memref<!tpu.dma_semaphore, #tpu.memory_space<semaphore_mem>>
        %dma_start3A_22 = arith.constant 0 : i32
        %dma_start3A_23 = tpu.memref_slice %arg2[%add3A_11, %dma_start3A_22] : memref<12288x2048xf32, #tpu.memory_space<hbm>> -> memref<32x2048xf32, #tpu.memory_space<hbm>>
        %dma_start3A_24 = arith.constant 0 : i32
        %dma_start3A_25 = tpu.memref_slice %arg2[%add3A_11, %dma_start3A_24] : memref<12288x2048xf32, #tpu.memory_space<hbm>> -> memref<32x2048xf32, #tpu.memory_space<hbm>>
        tpu.enqueue_dma source(%dma_start3A_25 : memref<32x2048xf32, #tpu.memory_space<hbm>>) target(%arg6 : memref<32x2048xf32, #tpu.memory_space<vmem>>) target_semaphore(%run_scoped3A : memref<!tpu.dma_semaphore, #tpu.memory_space<semaphore_mem>>)
        %dma_wait3A_26 = arith.constant 0 : i32
        %dma_wait3A_27 = tpu.memref_slice %arg2[%add3A_11, %dma_wait3A_26] : memref<12288x2048xf32, #tpu.memory_space<hbm>> -> memref<32x2048xf32, #tpu.memory_space<hbm>>
        %dma_wait3A_28 = arith.constant 0 : i32
        %dma_wait3A_29 = tpu.memref_slice %arg2[%add3A_11, %dma_wait3A_28] : memref<12288x2048xf32, #tpu.memory_space<hbm>> -> memref<32x2048xf32, #tpu.memory_space<hbm>>
        tpu.wait_dma2 semaphore(%run_scoped3A : memref<!tpu.dma_semaphore, #tpu.memory_space<semaphore_mem>>) src(%dma_wait3A_29 : memref<32x2048xf32, #tpu.memory_space<hbm>>) dst(%arg6 : memref<32x2048xf32, #tpu.memory_space<vmem>>)
        tpu.yield
      }) : () -> ()
      %dma_start3A = arith.constant 0 : i32
      %dma_start3A_12 = tpu.memref_slice %arg5[%scan3A_8, %dma_start3A] : memref<12x32xi32, #tpu.memory_space<vmem>> -> memref<1x32xi32, #tpu.memory_space<vmem>>
      %dma_start3A_13 = tpu.memref_squeeze %dma_start3A_12 : memref<1x32xi32, #tpu.memory_space<vmem>> -> memref<32xi32, #tpu.memory_space<vmem>>
      %dma_start3A_14 = arith.constant 0 : i32
      %dma_start3A_15 = arith.constant 0 : i32
      %dma_start3A_16 = tpu.memref_slice %arg4[%dma_start3A_14, %dma_start3A_15] : memref<8200x2048xf32, #tpu.memory_space<hbm>> -> memref<8200x2048xf32, #tpu.memory_space<hbm>>
      tpu.enqueue_indirect_dma source(%arg6 : memref<32x2048xf32, #tpu.memory_space<vmem>>) target(%dma_start3A_16 : memref<8200x2048xf32, #tpu.memory_space<hbm>>) offsets(%dma_start3A_13 : memref<32xi32, #tpu.memory_space<vmem>>) semaphore(%arg7 : memref<!tpu.dma_semaphore, #tpu.memory_space<semaphore_mem>>)
      %dma_wait3A = arith.constant 0 : i32
      %dma_wait3A_17 = tpu.memref_slice %arg5[%scan3A_8, %dma_wait3A] : memref<12x32xi32, #tpu.memory_space<vmem>> -> memref<1x32xi32, #tpu.memory_space<vmem>>
      %dma_wait3A_18 = tpu.memref_squeeze %dma_wait3A_17 : memref<1x32xi32, #tpu.memory_space<vmem>> -> memref<32xi32, #tpu.memory_space<vmem>>
      %dma_wait3A_19 = arith.constant 0 : i32
      %dma_wait3A_20 = arith.constant 0 : i32
      %dma_wait3A_21 = tpu.memref_slice %arg4[%dma_wait3A_19, %dma_wait3A_20] : memref<8200x2048xf32, #tpu.memory_space<hbm>> -> memref<8200x2048xf32, #tpu.memory_space<hbm>>
      tpu.wait_indirect_dma semaphore(%arg7 : memref<!tpu.dma_semaphore, #tpu.memory_space<semaphore_mem>>) src(%arg6 : memref<32x2048xf32, #tpu.memory_space<vmem>>) dst(%dma_wait3A_21 : memref<8200x2048xf32, #tpu.memory_space<hbm>>)
    }
    %scan3A_7 = arith.constant 12 : i32
    return
  }
}

#map = affine_map<(d0, d1) -> (0, 0)>
#map1 = affine_map<(d0, d1) -> (0, 0, 0)>
module attributes {stable_mosaic.version = 14 : i64} {
  func.func @scatter_rows(%arg0: i32, %arg1: i32, %arg2: memref<8192x2048xf32, #tpu.memory_space<hbm>>, %arg3: memref<32x8x32xi32, #tpu.memory_space<hbm>>, %arg4: memref<12288x2048xf32, #tpu.memory_space<hbm>>, %arg5: memref<8x32xi32, #tpu.memory_space<vmem>>, %arg6: memref<32x2048xf32, #tpu.memory_space<vmem>>, %arg7: memref<!tpu.dma_semaphore, #tpu.memory_space<semaphore_mem>>) attributes {dimension_semantics = [#tpu.dimension_semantics<core_parallel>, #tpu.dimension_semantics<subcore_parallel>], iteration_bounds = array<i64: 2, 16>, scalar_prefetch = 0 : i64, scratch_operands = 3 : i64, tpu.core_type = #tpu.core_type<sc_vector_subcore>, window_params = [{transform_indices = #map}, {transform_indices = #map1}, {transform_indices = #map}]} {
    %mul3A = arith.constant 2 : i32
    %mul3A_0 = arith.muli %arg1, %mul3A : i32
    %add3A = arith.addi %mul3A_0, %arg0 : i32
    %mul3A_1 = arith.constant 256 : i32
    %mul3A_2 = arith.muli %add3A, %mul3A_1 : i32
    "tpu.region"() ({
      %run_scoped3A = tpu.sem_alloc : memref<!tpu.dma_semaphore, #tpu.memory_space<semaphore_mem>>
      %dma_start3A = arith.constant 0 : i32
      %dma_start3A_8 = arith.constant 0 : i32
      %dma_start3A_9 = tpu.memref_slice %arg3[%add3A, %dma_start3A, %dma_start3A_8] : memref<32x8x32xi32, #tpu.memory_space<hbm>> -> memref<1x8x32xi32, #tpu.memory_space<hbm>>
      %dma_start3A_10 = tpu.memref_squeeze %dma_start3A_9 : memref<1x8x32xi32, #tpu.memory_space<hbm>> -> memref<8x32xi32, #tpu.memory_space<hbm>>
      %dma_start3A_11 = arith.constant 0 : i32
      %dma_start3A_12 = arith.constant 0 : i32
      %dma_start3A_13 = tpu.memref_slice %arg3[%add3A, %dma_start3A_11, %dma_start3A_12] : memref<32x8x32xi32, #tpu.memory_space<hbm>> -> memref<1x8x32xi32, #tpu.memory_space<hbm>>
      %dma_start3A_14 = tpu.memref_squeeze %dma_start3A_13 : memref<1x8x32xi32, #tpu.memory_space<hbm>> -> memref<8x32xi32, #tpu.memory_space<hbm>>
      tpu.enqueue_dma source(%dma_start3A_14 : memref<8x32xi32, #tpu.memory_space<hbm>>) target(%arg5 : memref<8x32xi32, #tpu.memory_space<vmem>>) target_semaphore(%run_scoped3A : memref<!tpu.dma_semaphore, #tpu.memory_space<semaphore_mem>>)
      %dma_wait3A = arith.constant 0 : i32
      %dma_wait3A_15 = arith.constant 0 : i32
      %dma_wait3A_16 = tpu.memref_slice %arg3[%add3A, %dma_wait3A, %dma_wait3A_15] : memref<32x8x32xi32, #tpu.memory_space<hbm>> -> memref<1x8x32xi32, #tpu.memory_space<hbm>>
      %dma_wait3A_17 = tpu.memref_squeeze %dma_wait3A_16 : memref<1x8x32xi32, #tpu.memory_space<hbm>> -> memref<8x32xi32, #tpu.memory_space<hbm>>
      %dma_wait3A_18 = arith.constant 0 : i32
      %dma_wait3A_19 = arith.constant 0 : i32
      %dma_wait3A_20 = tpu.memref_slice %arg3[%add3A, %dma_wait3A_18, %dma_wait3A_19] : memref<32x8x32xi32, #tpu.memory_space<hbm>> -> memref<1x8x32xi32, #tpu.memory_space<hbm>>
      %dma_wait3A_21 = tpu.memref_squeeze %dma_wait3A_20 : memref<1x8x32xi32, #tpu.memory_space<hbm>> -> memref<8x32xi32, #tpu.memory_space<hbm>>
      tpu.wait_dma2 semaphore(%run_scoped3A : memref<!tpu.dma_semaphore, #tpu.memory_space<semaphore_mem>>) src(%dma_wait3A_21 : memref<8x32xi32, #tpu.memory_space<hbm>>) dst(%arg5 : memref<8x32xi32, #tpu.memory_space<vmem>>)
      tpu.yield
    }) : () -> ()
    %scan3A = arith.constant 0 : i32
    %scan3A_3 = arith.constant 0 : i32
    %scan3A_4 = arith.constant 8 : i32
    %scan3A_5 = arith.addi %scan3A_3, %scan3A_4 : i32
    %scan3A_6 = arith.constant 1 : i32
    scf.for %scan3A_8 = %scan3A_3 to %scan3A_5 step %scan3A_6  : i32 {
      %mul3A_9 = arith.constant 32 : i32
      %mul3A_10 = arith.muli %scan3A_8, %mul3A_9 : i32
      %add3A_11 = arith.addi %mul3A_2, %mul3A_10 : i32
      "tpu.region"() ({
        %run_scoped3A = tpu.sem_alloc : memref<!tpu.dma_semaphore, #tpu.memory_space<semaphore_mem>>
        %dma_start3A_22 = arith.constant 0 : i32
        %dma_start3A_23 = tpu.memref_slice %arg2[%add3A_11, %dma_start3A_22] : memref<8192x2048xf32, #tpu.memory_space<hbm>> -> memref<32x2048xf32, #tpu.memory_space<hbm>>
        %dma_start3A_24 = arith.constant 0 : i32
        %dma_start3A_25 = tpu.memref_slice %arg2[%add3A_11, %dma_start3A_24] : memref<8192x2048xf32, #tpu.memory_space<hbm>> -> memref<32x2048xf32, #tpu.memory_space<hbm>>
        tpu.enqueue_dma source(%dma_start3A_25 : memref<32x2048xf32, #tpu.memory_space<hbm>>) target(%arg6 : memref<32x2048xf32, #tpu.memory_space<vmem>>) target_semaphore(%run_scoped3A : memref<!tpu.dma_semaphore, #tpu.memory_space<semaphore_mem>>)
        %dma_wait3A_26 = arith.constant 0 : i32
        %dma_wait3A_27 = tpu.memref_slice %arg2[%add3A_11, %dma_wait3A_26] : memref<8192x2048xf32, #tpu.memory_space<hbm>> -> memref<32x2048xf32, #tpu.memory_space<hbm>>
        %dma_wait3A_28 = arith.constant 0 : i32
        %dma_wait3A_29 = tpu.memref_slice %arg2[%add3A_11, %dma_wait3A_28] : memref<8192x2048xf32, #tpu.memory_space<hbm>> -> memref<32x2048xf32, #tpu.memory_space<hbm>>
        tpu.wait_dma2 semaphore(%run_scoped3A : memref<!tpu.dma_semaphore, #tpu.memory_space<semaphore_mem>>) src(%dma_wait3A_29 : memref<32x2048xf32, #tpu.memory_space<hbm>>) dst(%arg6 : memref<32x2048xf32, #tpu.memory_space<vmem>>)
        tpu.yield
      }) : () -> ()
      %dma_start3A = arith.constant 0 : i32
      %dma_start3A_12 = tpu.memref_slice %arg5[%scan3A_8, %dma_start3A] : memref<8x32xi32, #tpu.memory_space<vmem>> -> memref<1x32xi32, #tpu.memory_space<vmem>>
      %dma_start3A_13 = tpu.memref_squeeze %dma_start3A_12 : memref<1x32xi32, #tpu.memory_space<vmem>> -> memref<32xi32, #tpu.memory_space<vmem>>
      %dma_start3A_14 = arith.constant 0 : i32
      %dma_start3A_15 = arith.constant 0 : i32
      %dma_start3A_16 = tpu.memref_slice %arg4[%dma_start3A_14, %dma_start3A_15] : memref<12288x2048xf32, #tpu.memory_space<hbm>> -> memref<12288x2048xf32, #tpu.memory_space<hbm>>
      tpu.enqueue_indirect_dma source(%arg6 : memref<32x2048xf32, #tpu.memory_space<vmem>>) target(%dma_start3A_16 : memref<12288x2048xf32, #tpu.memory_space<hbm>>) offsets(%dma_start3A_13 : memref<32xi32, #tpu.memory_space<vmem>>) semaphore(%arg7 : memref<!tpu.dma_semaphore, #tpu.memory_space<semaphore_mem>>)
      %dma_wait3A = arith.constant 0 : i32
      %dma_wait3A_17 = tpu.memref_slice %arg5[%scan3A_8, %dma_wait3A] : memref<8x32xi32, #tpu.memory_space<vmem>> -> memref<1x32xi32, #tpu.memory_space<vmem>>
      %dma_wait3A_18 = tpu.memref_squeeze %dma_wait3A_17 : memref<1x32xi32, #tpu.memory_space<vmem>> -> memref<32xi32, #tpu.memory_space<vmem>>
      %dma_wait3A_19 = arith.constant 0 : i32
      %dma_wait3A_20 = arith.constant 0 : i32
      %dma_wait3A_21 = tpu.memref_slice %arg4[%dma_wait3A_19, %dma_wait3A_20] : memref<12288x2048xf32, #tpu.memory_space<hbm>> -> memref<12288x2048xf32, #tpu.memory_space<hbm>>
      tpu.wait_indirect_dma semaphore(%arg7 : memref<!tpu.dma_semaphore, #tpu.memory_space<semaphore_mem>>) src(%arg6 : memref<32x2048xf32, #tpu.memory_space<vmem>>) dst(%dma_wait3A_21 : memref<12288x2048xf32, #tpu.memory_space<hbm>>)
    }
    %scan3A_7 = arith.constant 8 : i32
    return
  }
}

module attributes {stable_mosaic.version = 14 : i64} {
  func.func @_route_body(%arg0: i32, %arg1: i32, %arg2: memref<1024x2048xf32, #tpu.memory_space<vmem>>, %arg3: memref<1x2048xf32, #tpu.memory_space<vmem>>, %arg4: memref<2048x64xf32, #tpu.memory_space<vmem>>, %arg5: memref<1024x1xf32, #tpu.memory_space<vmem>>, %arg6: memref<1024x1xi32, #tpu.memory_space<vmem>>, %arg7: memref<192x1xi32, #tpu.memory_space<vmem>>, %arg8: memref<8192x1xi32, #tpu.memory_space<vmem>>, %arg9: memref<8192x1xf32, #tpu.memory_space<vmem>>, %arg10: memref<1x64xf32, #tpu.memory_space<vmem>>) attributes {dimension_semantics = [#tpu.dimension_semantics<arbitrary>, #tpu.dimension_semantics<arbitrary>], iteration_bounds = array<i64: 2, 8>, scalar_prefetch = 0 : i64, scratch_operands = 3 : i64, tpu.core_type = #tpu.core_type<tc>, window_params = [{transform_indices = @transform_0, window_bounds = array<i64: 1024, 2048>}, {pipeline_mode = #tpu.pipeline_mode<synchronous>, transform_indices = @transform_1, window_bounds = array<i64: 1, 2048>}, {pipeline_mode = #tpu.pipeline_mode<synchronous>, transform_indices = @transform_2, window_bounds = array<i64: 2048, 64>}, {transform_indices = @transform_3, window_bounds = array<i64: 1024, 1>}, {transform_indices = @transform_4, window_bounds = array<i64: 1024, 1>}, {pipeline_mode = #tpu.pipeline_mode<synchronous>, transform_indices = @transform_5, window_bounds = array<i64: 192, 1>}]} {
    %eq3A = arith.constant 0 : i32
    %eq3A_0 = arith.cmpi eq, %arg0, %eq3A : i32
    %eq3A_1 = arith.constant 0 : i32
    %eq3A_2 = arith.cmpi eq, %arg1, %eq3A_1 : i32
    %and3A = arith.andi %eq3A_0, %eq3A_2 : i1
    %convert_element_type3A = arith.extui %and3A : i1 to i32
    %cond3A = arith.constant 0 : i32
    %cond3A_3 = arith.cmpi ne, %convert_element_type3A, %cond3A : i32
    scf.if %cond3A_3 {
      %broadcast_in_dim3A = arith.constant 0.000000e+00 : f32
      %broadcast_in_dim3A_14 = vector.broadcast %broadcast_in_dim3A : f32 to vector<1x64xf32>
      %swap3A = arith.constant 0 : index
      %swap3A_15 = arith.constant 0 : index
      %swap3A_16 = vector.load %arg10[%swap3A, %swap3A_15] : memref<1x64xf32, #tpu.memory_space<vmem>>, vector<1x64xf32>
      tpu.vector_store %arg10[%swap3A, %swap3A_15], %broadcast_in_dim3A_14 {strides = array<i32>} : memref<1x64xf32, #tpu.memory_space<vmem>>, vector<1x64xf32>,
    } else {
    }
    %eq3A_4 = arith.constant 0 : i32
    %eq3A_5 = arith.cmpi eq, %arg0, %eq3A_4 : i32
    %convert_element_type3A_6 = arith.extui %eq3A_5 : i1 to i32
    %cond3A_7 = arith.constant 0 : i32
    %cond3A_8 = arith.cmpi ne, %convert_element_type3A_6, %cond3A_7 : i32
    scf.if %cond3A_8 {
      %get3A = arith.constant 0 : index
      %get3A_14 = arith.constant 0 : index
      %get3A_15 = vector.load %arg2[%get3A, %get3A_14] : memref<1024x2048xf32, #tpu.memory_space<vmem>>, vector<1024x2048xf32>
      %get3A_16 = arith.constant 0 : index
      %get3A_17 = arith.constant 0 : index
      %get3A_18 = vector.load %arg3[%get3A_16, %get3A_17] : memref<1x2048xf32, #tpu.memory_space<vmem>>, vector<1x2048xf32>
      %sub3A = vector.broadcast %get3A_18 : vector<1x2048xf32> to vector<1024x2048xf32>
      %sub3A_19 = arith.subf %get3A_15, %sub3A : vector<1024x2048xf32>
      %get3A_20 = arith.constant 0 : index
      %get3A_21 = arith.constant 0 : index
      %get3A_22 = vector.load %arg4[%get3A_20, %get3A_21] : memref<2048x64xf32, #tpu.memory_space<vmem>>, vector<2048x64xf32>
      %dot_general3A = arith.constant dense<0.000000e+00> : vector<1024x64xf32>
      %dot_general3A_23 = tpu.matmul %sub3A_19, %get3A_22, %dot_general3A {dimension_numbers = #tpu.dot_dimension_numbers<[1], [0], [0], [1], [0, 0, 1, 1], [], []>, transpose_lhs_hint = false} : vector<1024x2048xf32>, vector<2048x64xf32>, vector<1024x64xf32> -> vector<1024x64xf32>
      %reduce_max3A = arith.constant dense<0xFF800000> : vector<1024xf32>
      %reduce_max3A_24 = vector.multi_reduction <maximumf>, %dot_general3A_23, %reduce_max3A [1] : vector<1024x64xf32> to vector<1024xf32>
      %broadcast_in_dim3A = vector.shape_cast %reduce_max3A_24 : vector<1024xf32> to vector<1024x1xf32>
      %sub3A_25 = vector.broadcast %broadcast_in_dim3A : vector<1024x1xf32> to vector<1024x64xf32>
      %sub3A_26 = arith.subf %dot_general3A_23, %sub3A_25 : vector<1024x64xf32>
      %exp3A = math.exp %sub3A_26 : vector<1024x64xf32>
      %reduce_sum3A = arith.constant dense<0.000000e+00> : vector<1024xf32>
      %reduce_sum3A_27 = vector.multi_reduction <add>, %exp3A, %reduce_sum3A [1] : vector<1024x64xf32> to vector<1024xf32>
      %broadcast_in_dim3A_28 = vector.shape_cast %reduce_sum3A_27 : vector<1024xf32> to vector<1024x1xf32>
      %div3A = vector.broadcast %broadcast_in_dim3A_28 : vector<1024x1xf32> to vector<1024x64xf32>
      %div3A_29 = arith.divf %exp3A, %div3A : vector<1024x64xf32>
      %argmax3A = tpu.reduce_index %div3A_29 {axis = 1 : i32, kind = #tpu.reduction_kind<arg_max>} : vector<1024x64xf32> -> vector<1024xi32>
      %broadcast_in_dim3A_30 = vector.shape_cast %argmax3A : vector<1024xi32> to vector<1024x1xi32>
      %reduce_max3A_31 = arith.constant dense<0xFF800000> : vector<1024xf32>
      %reduce_max3A_32 = vector.multi_reduction <maximumf>, %div3A_29, %reduce_max3A_31 [1] : vector<1024x64xf32> to vector<1024xf32>
      %broadcast_in_dim3A_33 = vector.shape_cast %reduce_max3A_32 : vector<1024xf32> to vector<1024x1xf32>
      %iota3A = tpu.iota {dimensions = array<i32: 1>} : vector<1024x64xi32>
      %eq3A_34 = vector.broadcast %broadcast_in_dim3A_30 : vector<1024x1xi32> to vector<1024x64xi32>
      %eq3A_35 = arith.cmpi eq, %eq3A_34, %iota3A : vector<1024x64xi32>
      %convert_element_type3A_36 = arith.extui %eq3A_35 : vector<1024x64xi1> to vector<1024x64xi32>
      %convert_element_type3A_37 = arith.sitofp %convert_element_type3A_36 : vector<1024x64xi32> to vector<1024x64xf32>
      %iota3A_38 = tpu.iota {dimensions = array<i32: 0>} : vector<1024x1024xi32>
      %iota3A_39 = tpu.iota {dimensions = array<i32: 1>} : vector<1024x1024xi32>
      %lt3A = arith.cmpi slt, %iota3A_39, %iota3A_38 : vector<1024x1024xi32>
      %convert_element_type3A_40 = arith.extui %lt3A : vector<1024x1024xi1> to vector<1024x1024xi32>
      %convert_element_type3A_41 = arith.sitofp %convert_element_type3A_40 : vector<1024x1024xi32> to vector<1024x1024xf32>
      %dot_general3A_42 = arith.constant dense<0.000000e+00> : vector<1024x64xf32>
      %dot_general3A_43 = tpu.matmul %convert_element_type3A_41, %convert_element_type3A_37, %dot_general3A_42 {dimension_numbers = #tpu.dot_dimension_numbers<[1], [0], [0], [1], [0, 0, 1, 1], [], []>, precision = #tpu.contract_precision<fp32>, transpose_lhs_hint = false} : vector<1024x1024xf32>, vector<1024x64xf32>, vector<1024x64xf32> -> vector<1024x64xf32>
      %mul3A = arith.mulf %convert_element_type3A_37, %dot_general3A_43 : vector<1024x64xf32>
      %reduce_sum3A_44 = arith.constant dense<0.000000e+00> : vector<1024xf32>
      %reduce_sum3A_45 = vector.multi_reduction <add>, %mul3A, %reduce_sum3A_44 [1] : vector<1024x64xf32> to vector<1024xf32>
      %broadcast_in_dim3A_46 = vector.shape_cast %reduce_sum3A_45 : vector<1024xf32> to vector<1024x1xf32>
      %get3A_47 = arith.constant 0 : index
      %get3A_48 = arith.constant 0 : index
      %get3A_49 = vector.load %arg10[%get3A_47, %get3A_48] : memref<1x64xf32, #tpu.memory_space<vmem>>, vector<1x64xf32>
      %mul3A_50 = vector.broadcast %get3A_49 : vector<1x64xf32> to vector<1024x64xf32>
      %mul3A_51 = arith.mulf %convert_element_type3A_37, %mul3A_50 : vector<1024x64xf32>
      %reduce_sum3A_52 = arith.constant dense<0.000000e+00> : vector<1024xf32>
      %reduce_sum3A_53 = vector.multi_reduction <add>, %mul3A_51, %reduce_sum3A_52 [1] : vector<1024x64xf32> to vector<1024xf32>
      %broadcast_in_dim3A_54 = vector.shape_cast %reduce_sum3A_53 : vector<1024xf32> to vector<1024x1xf32>
      %add3A = arith.addf %broadcast_in_dim3A_46, %broadcast_in_dim3A_54 : vector<1024x1xf32>
      %mul3A_55 = arith.constant 1024 : i32
      %mul3A_56 = arith.muli %arg1, %mul3A_55 : i32
      %swap3A = arith.index_cast %mul3A_56 : i32 to index
      %swap3A_57 = arith.constant 0 : index
      %swap3A_58 = vector.load %arg9[%swap3A, %swap3A_57] : memref<8192x1xf32, #tpu.memory_space<vmem>>, vector<1024x1xf32>
      tpu.vector_store %arg9[%swap3A, %swap3A_57], %add3A {strides = array<i32>} : memref<8192x1xf32, #tpu.memory_space<vmem>>, vector<1024x1xf32>,
      %mul3A_59 = arith.constant 1024 : i32
      %mul3A_60 = arith.muli %arg1, %mul3A_59 : i32
      %swap3A_61 = arith.index_cast %mul3A_60 : i32 to index
      %swap3A_62 = arith.constant 0 : index
      %swap3A_63 = vector.load %arg8[%swap3A_61, %swap3A_62] : memref<8192x1xi32, #tpu.memory_space<vmem>>, vector<1024x1xi32>
      tpu.vector_store %arg8[%swap3A_61, %swap3A_62], %broadcast_in_dim3A_30 {strides = array<i32>} : memref<8192x1xi32, #tpu.memory_space<vmem>>, vector<1024x1xi32>,
      %get3A_64 = arith.constant 0 : index
      %get3A_65 = arith.constant 0 : index
      %get3A_66 = vector.load %arg10[%get3A_64, %get3A_65] : memref<1x64xf32, #tpu.memory_space<vmem>>, vector<1x64xf32>
      %reduce_sum3A_67 = arith.constant dense<0.000000e+00> : vector<64xf32>
      %reduce_sum3A_68 = vector.multi_reduction <add>, %convert_element_type3A_37, %reduce_sum3A_67 [0] : vector<1024x64xf32> to vector<64xf32>
      %broadcast_in_dim3A_69 = vector.shape_cast %reduce_sum3A_68 : vector<64xf32> to vector<1x64xf32>
      %add3A_70 = arith.addf %get3A_66, %broadcast_in_dim3A_69 : vector<1x64xf32>
      %swap3A_71 = arith.constant 0 : index
      %swap3A_72 = arith.constant 0 : index
      %swap3A_73 = vector.load %arg10[%swap3A_71, %swap3A_72] : memref<1x64xf32, #tpu.memory_space<vmem>>, vector<1x64xf32>
      tpu.vector_store %arg10[%swap3A_71, %swap3A_72], %add3A_70 {strides = array<i32>} : memref<1x64xf32, #tpu.memory_space<vmem>>, vector<1x64xf32>,
      %swap3A_74 = arith.constant 0 : index
      %swap3A_75 = arith.constant 0 : index
      %swap3A_76 = vector.load %arg5[%swap3A_74, %swap3A_75] : memref<1024x1xf32, #tpu.memory_space<vmem>>, vector<1024x1xf32>
      tpu.vector_store %arg5[%swap3A_74, %swap3A_75], %broadcast_in_dim3A_33 {strides = array<i32>} : memref<1024x1xf32, #tpu.memory_space<vmem>>, vector<1024x1xf32>,
    } else {
    }
    %eq3A_9 = arith.constant 1 : i32
    %eq3A_10 = arith.cmpi eq, %arg0, %eq3A_9 : i32
    %convert_element_type3A_11 = arith.extui %eq3A_10 : i1 to i32
    %cond3A_12 = arith.constant 0 : i32
    %cond3A_13 = arith.cmpi ne, %convert_element_type3A_11, %cond3A_12 : i32
    scf.if %cond3A_13 {
      %mul3A = arith.constant 1024 : i32
      %mul3A_14 = arith.muli %arg1, %mul3A : i32
      %get3A = arith.index_cast %mul3A_14 : i32 to index
      %get3A_15 = arith.constant 0 : index
      %get3A_16 = vector.load %arg8[%get3A, %get3A_15] : memref<8192x1xi32, #tpu.memory_space<vmem>>, vector<1024x1xi32>
      %iota3A = tpu.iota {dimensions = array<i32: 1>} : vector<1024x64xi32>
      %eq3A_17 = vector.broadcast %get3A_16 : vector<1024x1xi32> to vector<1024x64xi32>
      %eq3A_18 = arith.cmpi eq, %eq3A_17, %iota3A : vector<1024x64xi32>
      %convert_element_type3A_19 = arith.extui %eq3A_18 : vector<1024x64xi1> to vector<1024x64xi32>
      %convert_element_type3A_20 = arith.sitofp %convert_element_type3A_19 : vector<1024x64xi32> to vector<1024x64xf32>
      %get3A_21 = arith.constant 0 : index
      %get3A_22 = arith.constant 0 : index
      %get3A_23 = vector.load %arg10[%get3A_21, %get3A_22] : memref<1x64xf32, #tpu.memory_space<vmem>>, vector<1x64xf32>
      %add3A = arith.constant 6.300000e+01 : f32
      %add3A_24 = vector.broadcast %add3A : f32 to vector<1x64xf32>
      %add3A_25 = arith.addf %get3A_23, %add3A_24 : vector<1x64xf32>
      %mul3A_26 = arith.constant 1.562500e-02 : f32
      %mul3A_27 = vector.broadcast %mul3A_26 : f32 to vector<1x64xf32>
      %mul3A_28 = arith.mulf %add3A_25, %mul3A_27 : vector<1x64xf32>
      %floor3A = math.floor %mul3A_28 : vector<1x64xf32>
      %iota3A_29 = tpu.iota {dimensions = array<i32: 0>} : vector<64x64xi32>
      %iota3A_30 = tpu.iota {dimensions = array<i32: 1>} : vector<64x64xi32>
      %lt3A = arith.cmpi slt, %iota3A_29, %iota3A_30 : vector<64x64xi32>
      %convert_element_type3A_31 = arith.extui %lt3A : vector<64x64xi1> to vector<64x64xi32>
      %convert_element_type3A_32 = arith.sitofp %convert_element_type3A_31 : vector<64x64xi32> to vector<64x64xf32>
      %dot_general3A = arith.constant dense<0.000000e+00> : vector<1x64xf32>
      %dot_general3A_33 = tpu.matmul %floor3A, %convert_element_type3A_32, %dot_general3A {dimension_numbers = #tpu.dot_dimension_numbers<[1], [0], [0], [1], [0, 0, 1, 1], [], []>, precision = #tpu.contract_precision<fp32>, transpose_lhs_hint = false} : vector<1x64xf32>, vector<64x64xf32>, vector<1x64xf32> -> vector<1x64xf32>
      %mul3A_34 = arith.constant 6.400000e+01 : f32
      %mul3A_35 = vector.broadcast %mul3A_34 : f32 to vector<1x64xf32>
      %mul3A_36 = arith.mulf %dot_general3A_33, %mul3A_35 : vector<1x64xf32>
      %mul3A_37 = vector.broadcast %mul3A_36 : vector<1x64xf32> to vector<1024x64xf32>
      %mul3A_38 = arith.mulf %convert_element_type3A_20, %mul3A_37 : vector<1024x64xf32>
      %reduce_sum3A = arith.constant dense<0.000000e+00> : vector<1024xf32>
      %reduce_sum3A_39 = vector.multi_reduction <add>, %mul3A_38, %reduce_sum3A [1] : vector<1024x64xf32> to vector<1024xf32>
      %broadcast_in_dim3A = vector.shape_cast %reduce_sum3A_39 : vector<1024xf32> to vector<1024x1xf32>
      %mul3A_40 = arith.constant 1024 : i32
      %mul3A_41 = arith.muli %arg1, %mul3A_40 : i32
      %get3A_42 = arith.index_cast %mul3A_41 : i32 to index
      %get3A_43 = arith.constant 0 : index
      %get3A_44 = vector.load %arg9[%get3A_42, %get3A_43] : memref<8192x1xf32, #tpu.memory_space<vmem>>, vector<1024x1xf32>
      %add3A_45 = arith.addf %broadcast_in_dim3A, %get3A_44 : vector<1024x1xf32>
      %convert_element_type3A_46 = arith.fptosi %add3A_45 : vector<1024x1xf32> to vector<1024x1xi32>
      %swap3A = arith.constant 0 : index
      %swap3A_47 = arith.constant 0 : index
      %swap3A_48 = vector.load %arg6[%swap3A, %swap3A_47] : memref<1024x1xi32, #tpu.memory_space<vmem>>, vector<1024x1xi32>
      tpu.vector_store %arg6[%swap3A, %swap3A_47], %convert_element_type3A_46 {strides = array<i32>} : memref<1024x1xi32, #tpu.memory_space<vmem>>, vector<1024x1xi32>,
      %iota3A_49 = tpu.iota {dimensions = array<i32: 0>} : vector<192x64xi32>
      %convert_element_type3A_50 = arith.sitofp %iota3A_49 : vector<192x64xi32> to vector<192x64xf32>
      %ge3A = vector.broadcast %dot_general3A_33 : vector<1x64xf32> to vector<192x64xf32>
      %ge3A_51 = arith.cmpf oge, %convert_element_type3A_50, %ge3A : vector<192x64xf32>
      %convert_element_type3A_52 = arith.extui %ge3A_51 : vector<192x64xi1> to vector<192x64xi32>
      %convert_element_type3A_53 = arith.sitofp %convert_element_type3A_52 : vector<192x64xi32> to vector<192x64xf32>
      %reduce_sum3A_54 = arith.constant dense<0.000000e+00> : vector<192xf32>
      %reduce_sum3A_55 = vector.multi_reduction <add>, %convert_element_type3A_53, %reduce_sum3A_54 [1] : vector<192x64xf32> to vector<192xf32>
      %broadcast_in_dim3A_56 = vector.shape_cast %reduce_sum3A_55 : vector<192xf32> to vector<192x1xf32>
      %sub3A = arith.constant 1.000000e+00 : f32
      %sub3A_57 = vector.broadcast %sub3A : f32 to vector<192x1xf32>
      %sub3A_58 = arith.subf %broadcast_in_dim3A_56, %sub3A_57 : vector<192x1xf32>
      %convert_element_type3A_59 = arith.fptosi %sub3A_58 : vector<192x1xf32> to vector<192x1xi32>
      %swap3A_60 = arith.constant 0 : index
      %swap3A_61 = arith.constant 0 : index
      %swap3A_62 = vector.load %arg7[%swap3A_60, %swap3A_61] : memref<192x1xi32, #tpu.memory_space<vmem>>, vector<192x1xi32>
      tpu.vector_store %arg7[%swap3A_60, %swap3A_61], %convert_element_type3A_59 {strides = array<i32>} : memref<192x1xi32, #tpu.memory_space<vmem>>, vector<192x1xi32>,
    } else {
    }
    return
  }
  func.func @transform_0(%arg0: i32, %arg1: i32) -> (i32, i32) {
    %eq3A = arith.constant 0 : i32
    %eq3A_0 = arith.cmpi eq, %arg0, %eq3A : i32
    %jit3A = arith.constant 0 : i32
    %select_n3A = arith.select %eq3A_0, %arg1, %jit3A : i32
    %c0_i32 = arith.constant 0 : i32
    %c0_i32_1 = arith.constant 0 : i32
    return %select_n3A, %c0_i32 : i32, i32
  }
  func.func @transform_1(%arg0: i32, %arg1: i32) -> (i32, i32) {
    %c0_i32 = arith.constant 0 : i32
    %c0_i32_0 = arith.constant 0 : i32
    %c0_i32_1 = arith.constant 0 : i32
    return %c0_i32, %c0_i32_0 : i32, i32
  }
  func.func @transform_2(%arg0: i32, %arg1: i32) -> (i32, i32) {
    %c0_i32 = arith.constant 0 : i32
    %c0_i32_0 = arith.constant 0 : i32
    %c0_i32_1 = arith.constant 0 : i32
    return %c0_i32, %c0_i32_0 : i32, i32
  }
  func.func @transform_3(%arg0: i32, %arg1: i32) -> (i32, i32) {
    %eq3A = arith.constant 0 : i32
    %eq3A_0 = arith.cmpi eq, %arg0, %eq3A : i32
    %jit3A = arith.constant 8 : i32
    %select_n3A = arith.select %eq3A_0, %arg1, %jit3A : i32
    %c0_i32 = arith.constant 0 : i32
    %c0_i32_1 = arith.constant 0 : i32
    return %select_n3A, %c0_i32 : i32, i32
  }
  func.func @transform_4(%arg0: i32, %arg1: i32) -> (i32, i32) {
    %c0_i32 = arith.constant 0 : i32
    %c0_i32_0 = arith.constant 0 : i32
    return %arg1, %c0_i32 : i32, i32
  }
  func.func @transform_5(%arg0: i32, %arg1: i32) -> (i32, i32) {
    %c0_i32 = arith.constant 0 : i32
    %c0_i32_0 = arith.constant 0 : i32
    %c0_i32_1 = arith.constant 0 : i32
    return %c0_i32, %c0_i32_0 : i32, i32
  }
}

module attributes {stable_mosaic.version = 14 : i64} {
  func.func @_expert_body(%arg0: i32, %arg1: memref<192xi32, #tpu.memory_space<smem>>, %arg2: memref<64x2048xf32, #tpu.memory_space<vmem>>, %arg3: memref<1x2048x64xf32, #tpu.memory_space<vmem>>, %arg4: memref<1x64x2048xf32, #tpu.memory_space<vmem>>, %arg5: memref<1x64x1xf32, #tpu.memory_space<vmem>>, %arg6: memref<1x2048xf32, #tpu.memory_space<vmem>>, %arg7: memref<64x2048xf32, #tpu.memory_space<vmem>>) attributes {dimension_semantics = [#tpu.dimension_semantics<arbitrary>], iteration_bounds = array<i64: 192>, scalar_prefetch = 1 : i64, scratch_operands = 0 : i64, tpu.core_type = #tpu.core_type<tc>, window_params = [{transform_indices = @transform_0, window_bounds = array<i64: 64, 2048>}, {transform_indices = @transform_1, window_bounds = array<i64: 1, 2048, 64>}, {transform_indices = @transform_2, window_bounds = array<i64: 1, 64, 2048>}, {transform_indices = @transform_3, window_bounds = array<i64: 1, 64, 1>}, {pipeline_mode = #tpu.pipeline_mode<synchronous>, transform_indices = @transform_4, window_bounds = array<i64: 1, 2048>}, {transform_indices = @transform_5, window_bounds = array<i64: 64, 2048>}]} {
    %get3A = arith.constant 0 : index
    %get3A_0 = arith.constant 0 : index
    %get3A_1 = vector.load %arg2[%get3A, %get3A_0] : memref<64x2048xf32, #tpu.memory_space<vmem>>, vector<64x2048xf32>
    %get3A_2 = arith.constant 0 : index
    %get3A_3 = arith.constant 0 : index
    %get3A_4 = arith.constant 0 : index
    %get3A_5 = vector.load %arg3[%get3A_2, %get3A_3, %get3A_4] : memref<1x2048x64xf32, #tpu.memory_space<vmem>>, vector<1x2048x64xf32>
    %get3A_6 = vector.shape_cast %get3A_5 : vector<1x2048x64xf32> to vector<2048x64xf32>
    %dot_general3A = arith.constant dense<0.000000e+00> : vector<64x64xf32>
    %dot_general3A_7 = tpu.matmul %get3A_1, %get3A_6, %dot_general3A {dimension_numbers = #tpu.dot_dimension_numbers<[1], [0], [0], [1], [0, 0, 1, 1], [], []>, transpose_lhs_hint = false} : vector<64x2048xf32>, vector<2048x64xf32>, vector<64x64xf32> -> vector<64x64xf32>
    %max3A = arith.constant 0.000000e+00 : f32
    %max3A_8 = vector.broadcast %max3A : f32 to vector<64x64xf32>
    %max3A_9 = arith.maximumf %dot_general3A_7, %max3A_8 : vector<64x64xf32>
    %get3A_10 = arith.constant 0 : index
    %get3A_11 = arith.constant 0 : index
    %get3A_12 = arith.constant 0 : index
    %get3A_13 = vector.load %arg4[%get3A_10, %get3A_11, %get3A_12] : memref<1x64x2048xf32, #tpu.memory_space<vmem>>, vector<1x64x2048xf32>
    %get3A_14 = vector.shape_cast %get3A_13 : vector<1x64x2048xf32> to vector<64x2048xf32>
    %dot_general3A_15 = arith.constant dense<0.000000e+00> : vector<64x2048xf32>
    %dot_general3A_16 = tpu.matmul %max3A_9, %get3A_14, %dot_general3A_15 {dimension_numbers = #tpu.dot_dimension_numbers<[1], [0], [0], [1], [0, 0, 1, 1], [], []>, transpose_lhs_hint = false} : vector<64x64xf32>, vector<64x2048xf32>, vector<64x2048xf32> -> vector<64x2048xf32>
    %get3A_17 = arith.constant 0 : index
    %get3A_18 = arith.constant 0 : index
    %get3A_19 = arith.constant 0 : index
    %get3A_20 = vector.load %arg5[%get3A_17, %get3A_18, %get3A_19] : memref<1x64x1xf32, #tpu.memory_space<vmem>>, vector<1x64x1xf32>
    %get3A_21 = vector.shape_cast %get3A_20 : vector<1x64x1xf32> to vector<64x1xf32>
    %mul3A = vector.broadcast %get3A_21 : vector<64x1xf32> to vector<64x2048xf32>
    %mul3A_22 = arith.mulf %mul3A, %dot_general3A_16 : vector<64x2048xf32>
    %get3A_23 = arith.constant 0 : index
    %get3A_24 = arith.constant 0 : index
    %get3A_25 = vector.load %arg6[%get3A_23, %get3A_24] : memref<1x2048xf32, #tpu.memory_space<vmem>>, vector<1x2048xf32>
    %add3A = vector.broadcast %get3A_25 : vector<1x2048xf32> to vector<64x2048xf32>
    %add3A_26 = arith.addf %mul3A_22, %add3A : vector<64x2048xf32>
    %swap3A = arith.constant 0 : index
    %swap3A_27 = arith.constant 0 : index
    %swap3A_28 = vector.load %arg7[%swap3A, %swap3A_27] : memref<64x2048xf32, #tpu.memory_space<vmem>>, vector<64x2048xf32>
    tpu.vector_store %arg7[%swap3A, %swap3A_27], %add3A_26 {strides = array<i32>} : memref<64x2048xf32, #tpu.memory_space<vmem>>, vector<64x2048xf32>,
    return
  }
  func.func @transform_0(%arg0: i32, %arg1: memref<192xi32, #tpu.memory_space<smem>>) -> (i32, i32) {
    %c0_i32 = arith.constant 0 : i32
    %c0_i32_0 = arith.constant 0 : i32
    return %arg0, %c0_i32 : i32, i32
  }
  func.func @transform_1(%arg0: i32, %arg1: memref<192xi32, #tpu.memory_space<smem>>) -> (i32, i32, i32) {
    %get3A = arith.index_cast %arg0 : i32 to index
    %get3A_0 = memref.load %arg1[%get3A] : memref<192xi32, #tpu.memory_space<smem>>
    %c0_i32 = arith.constant 0 : i32
    %c0_i32_1 = arith.constant 0 : i32
    %c0_i32_2 = arith.constant 0 : i32
    return %get3A_0, %c0_i32, %c0_i32_1 : i32, i32, i32
  }
  func.func @transform_2(%arg0: i32, %arg1: memref<192xi32, #tpu.memory_space<smem>>) -> (i32, i32, i32) {
    %get3A = arith.index_cast %arg0 : i32 to index
    %get3A_0 = memref.load %arg1[%get3A] : memref<192xi32, #tpu.memory_space<smem>>
    %c0_i32 = arith.constant 0 : i32
    %c0_i32_1 = arith.constant 0 : i32
    %c0_i32_2 = arith.constant 0 : i32
    return %get3A_0, %c0_i32, %c0_i32_1 : i32, i32, i32
  }
  func.func @transform_3(%arg0: i32, %arg1: memref<192xi32, #tpu.memory_space<smem>>) -> (i32, i32, i32) {
    %c0_i32 = arith.constant 0 : i32
    %c0_i32_0 = arith.constant 0 : i32
    %c0_i32_1 = arith.constant 0 : i32
    return %arg0, %c0_i32, %c0_i32_0 : i32, i32, i32
  }
  func.func @transform_4(%arg0: i32, %arg1: memref<192xi32, #tpu.memory_space<smem>>) -> (i32, i32) {
    %c0_i32 = arith.constant 0 : i32
    %c0_i32_0 = arith.constant 0 : i32
    %c0_i32_1 = arith.constant 0 : i32
    return %c0_i32, %c0_i32_0 : i32, i32
  }
  func.func @transform_5(%arg0: i32, %arg1: memref<192xi32, #tpu.memory_space<smem>>) -> (i32, i32) {
    %c0_i32 = arith.constant 0 : i32
    %c0_i32_0 = arith.constant 0 : i32
    return %arg0, %c0_i32 : i32, i32
  }
}

</mosaic_0001>

<sc_bundles>
// kernel: kernel.6.cloned.1.call-start
scs
__scs_entry_jumppad:
0x0: {  	(pc) =	sbr.rel $0x88, $3  }
0x1: {  	(tag) =	ssettag $0x0;
	lr =	simm.s32 $0x1  }
0x2: {  	[smem:$0x3F9B] =	sst lr;
	_ =	strace $0xD0000000  }
0x3: {  	_ = 	snop  }
0x4: {  	_ = 	snop  }
0x5: {  	_ = 	snop  }
0x6: {  	_ = 	snop  }
0x7: {  	_ = 	snop  }
__scs_overlays_trampoline_lowered:
0x8: {  	[smem:$0x3FAA] =	sst s0  }
0x9: {  	[smem:$0x3FAB] =	sst s1  }
0xa: {  	[smem:$0x3FAC] =	sst s2  }
0xb: {  	[smem:$0x3FAD] =	sst s3  }
0xc: {  	[smem:$0x3FAE] =	sst s4  }
0xd: {  	[smem:$0x3FAF] =	sst s5  }
0xe: {  	[smem:$0x3FB0] =	sst s6  }
0xf: {  	[smem:$0x3FB1] =	sst s7  }
0x10: {  	[smem:$0x3FB2] =	sst s8  }
0x11: {  	[smem:$0x3FB3] =	sst s9;
	s0 =	simm.s32 @!p0 $0x0  }
0x12: {  	s1 =	sld [smem:$0x3F99];
	s0 =	simm.s32 @p0 $0x1  }
0x13: {  	[smem:$0x3FB4] =	sst s0;
	s0 =	simm.s32 @!p1 $0x0  }
0x14: {  	s2 =	sld [smem:$0x3F98];
	s0 =	simm.s32 @p1 $0x1  }
0x15: {  	[smem:$0x3FB5] =	sst s0;
	s0 =	simm.s32 @!p2 $0x0  }
0x16: {  	s3 =	sld [smem:$0x3FDB];
	s0 =	simm.s32 @p2 $0x1  }
0x17: {  	s4 =	simm.s32 $0x1BF5;
	[smem:$0x3FB7] =	sst s0  }
0x18: {  	s0 =	sld [smem:$0x3F9A];
	_ =	swait.ge [sflag:s4], $0x0  }
0x19: {  	s7 =	sld [smem:$0x3F9B]  }
0x1a: {  	s8 =	sadd.s32 $0xFFFFE003, lr  }
0x1b: {  	s9 =	sadd.s32 $0xFFFFFEF7, lr;
	s5 =	simm.s32 $0xFFFFFFFF;
	p2 =	slt.u32 s8, $0xFFFFF086  }
0x1c: {  	p1 =	slt.u32 s9, $0xF7A;
	s5 =	simm.s32 @!p2 $0x0  }
0x1d: {  	s5 =	simm.s32 @p1 $0x1;
	p0 =	seq.s32 s7, s2  }
0x1e: {  	s7 =	smul.u32 @!p0 $0xF7A, s2;
	p2 =	seq.s32 @!p0 s5, $0x0  }
0x1f: {  	s9 =	smul.u32 $0xF7A, s1;
	s8 =	simm.s32 @!p0 $0x1BF5;
	p2 =	por !p2, p0  }
0x20: {  	[sflag:s8] =	ssyncset.s32 @!p0 $0xFFFFF086;
	s6 =	sadd.s32 @!p0 s3, s7;
	s7 =	simm.s32 @!p0 $0x108  }
0x21: {  	s3 =	sadd.s32 s3, s9;
	s6 =	sadd.s32 @!p0 $0x88, s6;
	s7 =	simm.s32 @p2 $0x1082  }
0x22: {  	[simem:s7], [sflag:s8] =	dma.local @!p0 [hbm:s6], $0xF7A  }
0x23: {  	s9 =	sor.u32 $0xD0000000, s2;
	s6 =	simm.s32 $0x108;
	_ =	swait.ge @!p0 [sflag:s8], $0x0  }
0x24: {  	s3 =	sadd.s32 $0x88, s3;
	s6 =	simm.s32 @!p1 $0x1082;
	[sflag:s4] =	ssyncset.s32 $0xFFFFF086  }
0x25: {  	[simem:s6], [sflag:s4] =	dma.local [hbm:s3], $0xF7A  }
0x26: {  	[smem:$0x3F9B] =	sst s1;
	(tag) =	ssettag s2;
	_ =	strace s9  }
0x27: {  	s1 =	sld [smem:$0x3FAB]  }
0x28: {  	s2 =	sld [smem:$0x3FAC]  }
0x29: {  	s4 =	sld [smem:$0x3FAE]  }
0x2a: {  	p0 =	seq.s32 s5, $0x0;
	s5 =	sld [smem:$0x3FAF]  }
0x2b: {  	s6 =	sld [smem:$0x3FB0]  }
0x2c: {  	s7 =	sld [smem:$0x3FB1]  }
0x2d: {  	s3 =	simm.s32 $0x108;
	s8 =	sld [smem:$0x3FB2]  }
0x2e: {  	s3 =	simm.s32 @!p0 $0x1082;
	s9 =	sld [smem:$0x3FB3]  }
0x2f: {  	lr =	sadd.s32 s0, s3;
	s0 =	sld [smem:$0x3FAA]  }
0x30: {  	s3 =	sld [smem:$0x3FAD]  }
0x31: {  	[smem:$0x3FB6] =	sst s10  }
0x32: {  	s10 =	sld [smem:$0x3FB4];
	_ =	sdelay $0x3  }
0x33: {  	p0 =	seq.s32 s10, $0x1;
	s10 =	sld [smem:$0x3FB6];
	_ =	sdelay $0x3  }
0x34: {  	[smem:$0x3FB6] =	sst s10  }
0x35: {  	s10 =	sld [smem:$0x3FB5];
	_ =	sdelay $0x3  }
0x36: {  	p1 =	seq.s32 s10, $0x1;
	s10 =	sld [smem:$0x3FB6];
	_ =	sdelay $0x3  }
0x37: {  	[smem:$0x3FB6] =	sst s10  }
0x38: {  	s10 =	sld [smem:$0x3FB7]  }
0x39: {  	_ = 	snop;
	(pc) =	sbr.ind lr, $3  }
0x3a: {  	_ = 	snop  }
0x3b: {  	_ = 	snop  }
0x3c: {  	p2 =	seq.s32 s10, $0x1;
	s10 =	sld [smem:$0x3FB6]  }
0x3d: {  	_ =	shalt  }
0x3e: {  	_ =	shalt  }
0x3f: {  	_ =	shalt  }
0x40: {  	_ =	shalt  }
0x41: {  	_ =	shalt  }
0x42: {  	_ =	shalt  }
0x43: {  	_ =	shalt  }
0x44: {  	_ =	shalt  }
0x45: {  	_ =	shalt  }
0x46: {  	_ =	shalt  }
0x47: {  	_ =	shalt  }
0x48: {  	_ =	shalt  }
0x49: {  	_ =	shalt  }
0x4a: {  	_ =	shalt  }
0x4b: {  	_ =	shalt  }
0x4c: {  	_ =	shalt  }
0x4d: {  	_ =	shalt  }
0x4e: {  	_ =	shalt  }
0x4f: {  	_ =	shalt  }
0x50: {  	_ =	shalt  }
0x51: {  	_ =	shalt  }
0x52: {  	_ =	shalt  }
0x53: {  	_ =	shalt  }
0x54: {  	_ =	shalt  }
0x55: {  	_ =	shalt  }
0x56: {  	_ =	shalt  }
0x57: {  	_ =	shalt  }
0x58: {  	_ =	shalt  }
0x59: {  	_ =	shalt  }
0x5a: {  	_ =	shalt  }
0x5b: {  	_ =	shalt  }
0x5c: {  	_ =	shalt  }
0x5d: {  	_ =	shalt  }
0x5e: {  	_ =	shalt  }
0x5f: {  	_ =	shalt  }
0x60: {  	_ =	shalt  }
0x61: {  	_ =	shalt  }
0x62: {  	_ =	shalt  }
0x63: {  	_ =	shalt  }
0x64: {  	_ =	shalt  }
0x65: {  	_ =	shalt  }
0x66: {  	_ =	shalt  }
0x67: {  	_ =	shalt  }
0x68: {  	_ =	shalt  }
0x69: {  	_ =	shalt  }
0x6a: {  	_ =	shalt  }
0x6b: {  	_ =	shalt  }
0x6c: {  	_ =	shalt  }
0x6d: {  	_ =	shalt  }
0x6e: {  	_ =	shalt  }
0x6f: {  	_ =	shalt  }
0x70: {  	_ =	shalt  }
0x71: {  	_ =	shalt  }
0x72: {  	_ =	shalt  }
0x73: {  	_ =	shalt  }
0x74: {  	_ =	shalt  }
0x75: {  	_ =	shalt  }
0x76: {  	_ =	shalt  }
0x77: {  	_ =	shalt  }
0x78: {  	_ =	shalt  }
0x79: {  	_ =	shalt  }
0x7a: {  	_ =	shalt  }
0x7b: {  	_ =	shalt  }
0x7c: {  	_ =	shalt  }
0x7d: {  	_ =	shalt  }
0x7e: {  	_ =	shalt  }
0x7f: {  	_ =	shalt  }
0x80: {  	_ =	shalt  }
0x81: {  	_ =	shalt  }
0x82: {  	_ =	shalt  }
0x83: {  	_ =	shalt  }
0x84: {  	_ =	shalt  }
0x85: {  	_ =	shalt  }
0x86: {  	_ =	shalt  }
0x87: {  	_ =	shalt  }
.Lfunc_end0:
.L_simem_size_0:
called_computation_lowered:
.L_overlay_start_0:
0x88: {  	s2 =	sld [smem:$0x3FD9]  }
0x89: {  	s3 =	sld [smem:$0x3FFE];
	_ =	sdelay $0x1  }
0x8a: {  	s1 =	srdreg.scid  }
0x8b: {  	s0 =	sand.u32 $0x1, s1  }
0x8c: {  	s17 =	sshll.u32 s0, $0xA;
	s2 =	sadd.s32 s3, s2  }
0x8d: {  	s2 =	sadd.s32 s2, s17  }
0x8e: {  	[smem:$0x3FC2] =	sst s2  }
0x8f: {  	_ = 	snop  }
0x90: {  	s2 =	sld [smem:$0x3FC9];
	(tm) =	ssettm $0x1  }
0x91: {  	s18 =	sld [smem:$0x3FFB];
	_ =	sdelay $0x3  }
0x92: {  	_ =	strace s18  }
0x93: {  	s3 =	sld [smem:$0x3FFC];
	_ =	sdelay $0x3  }
0x94: {  	_ =	strace s3  }
0x95: {  	s3 =	sld [smem:$0x3FFD];
	_ =	sdelay $0x3  }
0x96: {  	_ =	strace s3  }
0x97: {  	_ =	strace $0x8FFFFFFF  }
0x98: {  	s19 =	sld [smem:$0x3FDB];
	_ =	sdelay $0x1  }
0x99: {  	s4 =	simm.s32 $_scs_section_size  }
0x9a: {  	s5 =	simm.s32 $_size__tile_overlayer_lowered;
	s6 =	simm.s32 $_tile_overlayer_lowered  }
0x9b: {  	s22 =	simm.s32 $0x1BFF;
	s21 =	sshll.u32 s6, $0x1;
	s3 =	sadd.s32 s4, s19  }
0x9c: {  	s7 =	simm.s32 $0x0;
	s20 =	sshll.u32 s5, $0x1;
	s5 =	sadd.s32 s21, s3  }
0x9d: {  	[timem:s7], [sflag:s22] =	dma.local [hbm:s5], s20  }
0x9e: {  	_ =	swait.ge [sflag:s22], s20  }
0x9f: {  	s4 =	ssub.s32 $0x0, s20;
	[sflag:s22] =	ssyncset.done $0x0  }
0xa0: {  	[sflag:s22] =	ssyncadd.s32 s4;
	_ =	sdelay $0x1  }
0xa1: {  	s23 =	simm.s32 $0x1B8B  }
0xa2: {  	_ =	swait.ge [sflag:s23], $0x1  }
0xa3: {  	[sflag:s23] =	ssyncset.done $0x0  }
0xa4: {  	s25 =	simm.s32 $0x1B8E;
	s24 =	sld [smem:$0x3FFE];
	[sflag:s23] =	ssyncadd.s32 $0xFFFFFFFF  }
0xa5: {  	s26 =	simm.s32 $execute0_lowered;
	[smem:$0x3FD2] =	sst s25  }
0xa6: {  	s5 =	sshll.u32 s26, $0x1;
	_ =	strace $0x80000046;
	[dreg:$0x1] =	wrdreg $0xFFFFFFFF  }
0xa7: {  	s28 =	simm.s32 $_size_execute0_lowered;
	s3 =	sadd.s32 s3, s5;
	[dreg:$0x0] =	wrdreg $0x0  }
0xa8: {  	s5 =	sshll.u32 s28, $0x1;
	[dreg:$0x2] =	wrdreg s3  }
0xa9: {  	[dreg:$0x3] =	wrdreg s5  }
0xaa: {  	[dreg:$0x4] =	wrdreg $0xC0  }
0xab: {  	_ =	task [dreg:s7], $0x5FFFF  }
0xac: {  	[dreg:$0x1] =	wrdreg $0xFFFFFFFF  }
0xad: {  	[dreg:$0x0] =	wrdreg $0x60  }
0xae: {  	[dreg:$0x2] =	wrdreg s2  }
0xaf: {  	[dreg:$0x3] =	wrdreg s24  }
0xb0: {  	[dreg:$0x4] =	wrdreg $0x9  }
0xb1: {  	_ =	task.clear_ibuf [dreg:s7], $0x5FFFF;
	_ =	strace $0x90000046  }
0xb2: {  	s29 =	simm.s32 $0x9;
	_ =	strace $0x80000048  }
0xb3: {  	_ =	swait.ge [sflag:s29], $0x1  }
0xb4: {  	[sflag:s29] =	ssyncadd.s32 $0xFFFFFFFF  }
0xb5: {  	_ =	strace $0x90000048  }
0xb6: {  	_ =	sfence  }
0xb7: {  	s30 =	sld [smem:$0x0];
	_ =	sdelay $0x2  }
0xb8: {  	s31 =	sshll.u32 s1, $0xD;
	s1 =	sshrl.u32 s1, $0x2  }
0xb9: {  	s3 =	sand.u32 $0x4000, s31;
	s1 =	sadd.s32 s1, s30  }
0xba: {  	s0 =	sor.u32 s3, s0;
	s1 =	sshll.u32 s1, $0x11  }
0xbb: {  	s0 =	sor.u32 s1, s0  }
0xbc: {  	s0 =	sadd.s32 $0x8F2B, s0  }
0xbd: {  	[sflag:s0] =	ssyncadd.remote.s32 $0x1  }
0xbe: {  	_ =	sfence.sel $0xFFFF  }
0xbf: {  	[dreg:$0x0] =	wrdreg $0xFFFFFFFF;
	(pc) =	sbr.abs _section_cstart, $3  }
0xc0: {  	[dreg:$0x1] =	wrdreg $0xFFFFFFFF  }
0xc1: {  	_ =	task.clear_ibuf [dreg:s7], $0x2FFFF;
	_ =	strace $0x9FFFFFFF  }
0xc2: {  	(tm) =	ssettm $0x7FFFFFFF  }
0xc3: {  	_ =	shalt  }
tec
execute0_lowered:
.L_overlay_start_1:
0x0: {  	(tag) =	ssettag $0x1  }
0x1: {  	s0 =	rddreg [dreg:$0x0]  }
0x2: {  	s1 =	rddreg [dreg:$0x1];
	s2 =	srdreg.scid  }
0x3: {  	s14 =	stileid.u32;
	s7 =	simm.s32 $0xC00;
	s13 =	simm.s32 $0x1400  }
0x4: {  	s15 =	simm.s32 $0x1C00;
	s16 =	simm.s32 $0x2400;
	s17 =	simm.s32 $0x2C00  }
0x5: {  	s18 =	simm.s32 $0x3400;
	s4 =	sand.u32 $0x1, s2;
	s2 =	simm.s32 $0x0  }
0x6: {  	s9 =	simm.s32 $0x3C00;
	s10 =	simm.s32 $0x4400;
	[smem:$0x7FF] =	sst s2  }
0x7: {  	s11 =	simm.s32 $0x4C00;
	_ =	strace $0x80000047;
	[dreg:$0x3] =	wrdreg s7  }
0x8: {  	s19 =	simm.s32 $0x5C00;
	s20 =	simm.s32 $0x6400;
	[dreg:$0x4] =	wrdreg s13  }
0x9: {  	s22 =	simm.s32 $0x6C00;
	s23 =	simm.s32 $0x7400;
	[dreg:$0x5] =	wrdreg s15  }
0xa: {  	s24 =	simm.s32 $0x7C00;
	s25 =	simm.s32 $0x8400;
	[dreg:$0x6] =	wrdreg s16  }
0xb: {  	s26 =	simm.s32 $0x8C00;
	s28 =	simm.s32 $0xEC00;
	[dreg:$0x7] =	wrdreg s17  }
0xc: {  	s29 =	simm.s32 $0xF400;
	s30 =	simm.s32 $0xFC00;
	[dreg:$0x8] =	wrdreg s18  }
0xd: {  	s31 =	simm.s32 $0x1;
	s3 =	sshll.u32 s14, $0x8;
	[dreg:$0x9] =	wrdreg s9  }
0xe: {  	s21 =	sshll.u32 s14, $0x11;
	s14 =	simm.s32 $0x2;
	[dreg:$0xa] =	wrdreg s10  }
0xf: {  	s5 =	sshll.u32 s4, $0x7;
	s6 =	ssub.s32 $0x2, s4;
	[dreg:$0xb] =	wrdreg s11  }
0x10: {  	s0 =	sadd.s32 s21, s0;
	s4 =	sshll.u32 s4, $0x10;
	[dreg:$0xd] =	wrdreg s19  }
0x11: {  	s21 =	simm.s32 $0xBC00;
	s3 =	sor.u32 s5, s3;
	[dreg:$0xe] =	wrdreg s20  }
0x12: {  	s8 =	sshrl.u32 s6, $0x1;
	s7 =	sadd.s32 $0x2300, s1;
	[dreg:$0xf] =	wrdreg s22  }
0x13: {  	s9 =	sadd.s32 $0x2500, s1;
	s10 =	sadd.s32 $0x2600, s1;
	[dreg:$0x10] =	wrdreg s23  }
0x14: {  	s13 =	simm.s32 $0x5400;
	s11 =	sadd.s32 $0x2700, s1;
	[dreg:$0x11] =	wrdreg s24  }
0x15: {  	s0 =	sadd.s32 s4, s0;
	[dreg:$0x12] =	wrdreg s25;
	s15 =	simm.s32 $0x400  }
0x16: {  	[dreg:$0x13] =	wrdreg s26;
	s16 =	simm.s32 $0x9400;
	s17 =	simm.s32 $0x9C00  }
0x17: {  	s18 =	simm.s32 $0xA400;
	s19 =	simm.s32 $0xAC00;
	s20 =	simm.s32 $0xB400  }
0x18: {  	s22 =	simm.s32 $0xC400;
	s23 =	simm.s32 $0xCC00;
	s24 =	simm.s32 $0xD400  }
0x19: {  	s25 =	simm.s32 $0xDC00;
	s26 =	simm.s32 $0xE400;
	s5 =	sadd.s32 s3, s1  }
0x1a: {  	s3 =	sadd.s32 $0x2000, s1;
	s12 =	ssub.s32 s6, s8;
	[dreg:$0xc] =	wrdreg s13  }
0x1b: {  	v2 =	vlaneseq.u32;
	s6 =	sadd.s32 $0x2200, s1;
	[dreg:$0x16] =	wrdreg s0;
	s5 =	sadd.s32 $0x1000, s5  }
0x1c: {  	vm0 =	vmmov $0xffff;
	v1 =	vshrl.u32 v2, $0x3;
	s8 =	sadd.s32 $0x2400, s1;
	s12 =	smax.u32 s12, $0x1;
	[dreg:$0x14] =	wrdreg s5  }
0x1d: {  	v0 =	vand.u32 $0x7, v2;
	v2 =	vor.u32 $0x8, v2;
	v1 =	vmul.u32 $0x8, v1;
	s5 =	sadd.s32 $0x2100, s1;
	[dreg:$0x15] =	wrdreg s12;
	s1 =	simm.s32 $0x0  }
.LBB2_1:
0x1e: {  	[dreg:$0x17] =	wrdreg s1  }
0x1f: {  	s0 =	rddreg [dreg:$0x14]  }
0x20: {  	[tilespmem:s2], [sflag:$0x2] =	stream.linear.gather [hbm4b:s0+s2], $0x400, $0x38;
	[tilespmem:$0x10400] =	vst v63  }
0x21: {  	_ =	swait.ge [sflag:s14], $0x400  }
0x22: {  	[sflag:s14] =	ssyncset.done $0x0  }
0x23: {  	s4 =	simm.s32 $0x0;
	s13 =	rddreg [dreg:$0x16];
	[sflag:s14] =	ssyncadd.s32 $0xFFFFFC00  }
.LBB2_2:
0x24: {  	[tilespmem:s15], [sflag:$0x2] =	stream.linear.gather [hbm4b:s13+s2], $0x10000, $0x38;
	[tilespmem:$0x10400] =	vst v63  }
0x25: {  	_ =	swait.ge [sflag:s14], $0x10000  }
0x26: {  	[sflag:s14] =	ssyncset.done $0x0  }
0x27: {  	s12 =	sshra.s32 s4, $0x2;
	[sflag:s14] =	ssyncadd.s32 $0xFFFF0000  }
0x28: {  	v3 =	vld [tilespmem:s12+$0x0];
	_ =	sdelay $0x4  }
0x29: {  	v4 =	vshll.u32 v3, $0x4  }
0x2a: {  	v3 =	vand.u32 $0x7, v3;
	v4 =	vand.u32 $0xFFFFFF80, v4  }
0x2b: {  	v3 =	vor.u32 v3, v4  }
0x2c: {  	v4 =	vperm.xlane v3, v0;
	_ =	sdelay $0x1  }
0x2d: {  	v4 =	vadd.s32 v1, v4;
	_ =	sdelay $0x4  }
0x2e: {  	[hbm4b:s3+s2] =	stream.indirect_vreg.scatter [tilespmem:s15], [sflag:$0x1], $0x80, v4, vm0, $0xb8;
	[tilespmem:$0x10400] =	vst v63  }
0x2f: {  	s1 =	rddreg [dreg:$0x3]  }
0x30: {  	[hbm4b:s5+s2] =	stream.indirect_vreg.scatter [tilespmem:s1], [sflag:$0x1], $0x80, v4, vm0, $0xb8;
	[tilespmem:$0x10400] =	vst v63  }
0x31: {  	s0 =	rddreg [dreg:$0x4]  }
0x32: {  	[hbm4b:s6+s2] =	stream.indirect_vreg.scatter [tilespmem:s0], [sflag:$0x1], $0x80, v4, vm0, $0xb8;
	[tilespmem:$0x10400] =	vst v63  }
0x33: {  	s1 =	rddreg [dreg:$0x5]  }
0x34: {  	[hbm4b:s7+s2] =	stream.indirect_vreg.scatter [tilespmem:s1], [sflag:$0x1], $0x80, v4, vm0, $0xb8;
	[tilespmem:$0x10400] =	vst v63  }
0x35: {  	s0 =	rddreg [dreg:$0x6]  }
0x36: {  	[hbm4b:s8+s2] =	stream.indirect_vreg.scatter [tilespmem:s0], [sflag:$0x1], $0x80, v4, vm0, $0xb8;
	[tilespmem:$0x10400] =	vst v63  }
0x37: {  	v3 =	vperm.xlane v3, v2;
	s1 =	rddreg [dreg:$0x7]  }
0x38: {  	[hbm4b:s9+s2] =	stream.indirect_vreg.scatter [tilespmem:s1], [sflag:$0x1], $0x80, v4, vm0, $0xb8;
	[tilespmem:$0x10400] =	vst v63  }
0x39: {  	v3 =	vadd.s32 v1, v3;
	s0 =	rddreg [dreg:$0x8]  }
0x3a: {  	[hbm4b:s10+s2] =	stream.indirect_vreg.scatter [tilespmem:s0], [sflag:$0x1], $0x80, v4, vm0, $0xb8;
	[tilespmem:$0x10400] =	vst v63  }
0x3b: {  	s1 =	rddreg [dreg:$0x9]  }
0x3c: {  	[hbm4b:s11+s2] =	stream.indirect_vreg.scatter [tilespmem:s1], [sflag:$0x1], $0x80, v4, vm0, $0xb8;
	[tilespmem:$0x10400] =	vst v63  }
0x3d: {  	s0 =	rddreg [dreg:$0xa]  }
0x3e: {  	[hbm4b:s3+s2] =	stream.indirect_vreg.scatter [tilespmem:s0], [sflag:$0x1], $0x80, v3, vm0, $0xb8;
	[tilespmem:$0x10400] =	vst v63  }
0x3f: {  	s1 =	rddreg [dreg:$0xb]  }
0x40: {  	[hbm4b:s5+s2] =	stream.indirect_vreg.scatter [tilespmem:s1], [sflag:$0x1], $0x80, v3, vm0, $0xb8;
	[tilespmem:$0x10400] =	vst v63  }
0x41: {  	s0 =	rddreg [dreg:$0xc]  }
0x42: {  	[hbm4b:s6+s2] =	stream.indirect_vreg.scatter [tilespmem:s0], [sflag:$0x1], $0x80, v3, vm0, $0xb8;
	[tilespmem:$0x10400] =	vst v63  }
0x43: {  	s1 =	rddreg [dreg:$0xd]  }
0x44: {  	[hbm4b:s7+s2] =	stream.indirect_vreg.scatter [tilespmem:s1], [sflag:$0x1], $0x80, v3, vm0, $0xb8;
	[tilespmem:$0x10400] =	vst v63  }
0x45: {  	s0 =	rddreg [dreg:$0xe]  }
0x46: {  	[hbm4b:s8+s2] =	stream.indirect_vreg.scatter [tilespmem:s0], [sflag:$0x1], $0x80, v3, vm0, $0xb8;
	[tilespmem:$0x10400] =	vst v63  }
0x47: {  	s1 =	rddreg [dreg:$0xf]  }
0x48: {  	[hbm4b:s9+s2] =	stream.indirect_vreg.scatter [tilespmem:s1], [sflag:$0x1], $0x80, v3, vm0, $0xb8;
	[tilespmem:$0x10400] =	vst v63  }
0x49: {  	s0 =	rddreg [dreg:$0x10]  }
0x4a: {  	[hbm4b:s10+s2] =	stream.indirect_vreg.scatter [tilespmem:s0], [sflag:$0x1], $0x80, v3, vm0, $0xb8;
	[tilespmem:$0x10400] =	vst v63  }
0x4b: {  	s1 =	rddreg [dreg:$0x11]  }
0x4c: {  	[hbm4b:s11+s2] =	stream.indirect_vreg.scatter [tilespmem:s1], [sflag:$0x1], $0x80, v3, vm0, $0xb8;
	[tilespmem:$0x10400] =	vst v63  }
0x4d: {  	v3 =	vld [tilespmem:s12+$0x10];
	_ =	sdelay $0x4  }
0x4e: {  	v63 =	vshll.u32 v3, $0x4  }
0x4f: {  	v3 =	vand.u32 $0x7, v3;
	v4 =	vand.u32 $0xFFFFFF80, v63  }
0x50: {  	v3 =	vor.u32 v3, v4  }
0x51: {  	v4 =	vperm.xlane v3, v0;
	_ =	sdelay $0x1  }
0x52: {  	v4 =	vadd.s32 v1, v4;
	_ =	sdelay $0x3  }
0x53: {  	s1 =	rddreg [dreg:$0x12]  }
0x54: {  	[hbm4b:s3+s2] =	stream.indirect_vreg.scatter [tilespmem:s1], [sflag:$0x1], $0x80, v4, vm0, $0xb8;
	[tilespmem:$0x10400] =	vst v63  }
0x55: {  	s12 =	rddreg [dreg:$0x13]  }
0x56: {  	[hbm4b:s5+s2] =	stream.indirect_vreg.scatter [tilespmem:s12], [sflag:$0x1], $0x80, v4, vm0, $0xb8;
	[tilespmem:$0x10400] =	vst v63  }
0x57: {  	_ = 	snop  }
0x58: {  	[hbm4b:s6+s2] =	stream.indirect_vreg.scatter [tilespmem:s16], [sflag:$0x1], $0x80, v4, vm0, $0xb8;
	[tilespmem:$0x10400] =	vst v63  }
0x59: {  	_ = 	snop  }
0x5a: {  	[hbm4b:s7+s2] =	stream.indirect_vreg.scatter [tilespmem:s17], [sflag:$0x1], $0x80, v4, vm0, $0xb8;
	[tilespmem:$0x10400] =	vst v63  }
0x5b: {  	_ = 	snop  }
0x5c: {  	[hbm4b:s8+s2] =	stream.indirect_vreg.scatter [tilespmem:s18], [sflag:$0x1], $0x80, v4, vm0, $0xb8;
	[tilespmem:$0x10400] =	vst v63  }
0x5d: {  	v3 =	vperm.xlane v3, v2  }
0x5e: {  	[hbm4b:s9+s2] =	stream.indirect_vreg.scatter [tilespmem:s19], [sflag:$0x1], $0x80, v4, vm0, $0xb8;
	[tilespmem:$0x10400] =	vst v63  }
0x5f: {  	v3 =	vadd.s32 v1, v3  }
0x60: {  	[hbm4b:s10+s2] =	stream.indirect_vreg.scatter [tilespmem:s20], [sflag:$0x1], $0x80, v4, vm0, $0xb8;
	[tilespmem:$0x10400] =	vst v63  }
0x61: {  	_ = 	snop  }
0x62: {  	[hbm4b:s11+s2] =	stream.indirect_vreg.scatter [tilespmem:s21], [sflag:$0x1], $0x80, v4, vm0, $0xb8;
	[tilespmem:$0x10400] =	vst v63  }
0x63: {  	_ = 	snop  }
0x64: {  	[hbm4b:s3+s2] =	stream.indirect_vreg.scatter [tilespmem:s22], [sflag:$0x1], $0x80, v3, vm0, $0xb8;
	[tilespmem:$0x10400] =	vst v63  }
0x65: {  	_ = 	snop  }
0x66: {  	[hbm4b:s5+s2] =	stream.indirect_vreg.scatter [tilespmem:s23], [sflag:$0x1], $0x80, v3, vm0, $0xb8;
	[tilespmem:$0x10400] =	vst v63  }
0x67: {  	_ = 	snop  }
0x68: {  	[hbm4b:s6+s2] =	stream.indirect_vreg.scatter [tilespmem:s24], [sflag:$0x1], $0x80, v3, vm0, $0xb8;
	[tilespmem:$0x10400] =	vst v63  }
0x69: {  	_ = 	snop  }
0x6a: {  	[hbm4b:s7+s2] =	stream.indirect_vreg.scatter [tilespmem:s25], [sflag:$0x1], $0x80, v3, vm0, $0xb8;
	[tilespmem:$0x10400] =	vst v63  }
0x6b: {  	_ = 	snop  }
0x6c: {  	[hbm4b:s8+s2] =	stream.indirect_vreg.scatter [tilespmem:s26], [sflag:$0x1], $0x80, v3, vm0, $0xb8;
	[tilespmem:$0x10400] =	vst v63  }
0x6d: {  	_ = 	snop  }
0x6e: {  	[hbm4b:s9+s2] =	stream.indirect_vreg.scatter [tilespmem:s28], [sflag:$0x1], $0x80, v3, vm0, $0xb8;
	[tilespmem:$0x10400] =	vst v63  }
0x6f: {  	p0 =	sne.s32 s4, $0xE00  }
0x70: {  	[hbm4b:s10+s2] =	stream.indirect_vreg.scatter [tilespmem:s29], [sflag:$0x1], $0x80, v3, vm0, $0xb8;
	[tilespmem:$0x10400] =	vst v63  }
.Ltmp0:
0x71: {  	_ = 	snop;
	(pc) =	sbr.rel @p0 .LBB2_2-.Ltmp0, $4  }
0x72: {  	[hbm4b:s11+s2] =	stream.indirect_vreg.scatter [tilespmem:s30], [sflag:$0x1], $0x80, v3, vm0, $0xb8;
	[tilespmem:$0x10400] =	vst v63  }
0x73: {  	_ =	swait.ge [sflag:s31], $0x10000  }
0x74: {  	[sflag:s31] =	ssyncset.done $0x0  }
0x75: {  	s13 =	sadd.s32 $0x2000, s13;
	s4 =	sadd.s32 $0x200, s4;
	[sflag:s31] =	ssyncadd.s32 $0xFFFF0000  }
0x76: {  	s1 =	rddreg [dreg:$0x17]  }
0x77: {  	s0 =	rddreg [dreg:$0x15];
	s1 =	sadd.s32 $0x1, s1  }
0x78: {  	p0 =	sne.s32 s1, s0  }
.Ltmp1:
0x79: {  	_ = 	snop;
	(pc) =	sbr.rel @p0 .LBB2_1-.Ltmp1, $1  }
0x7a: {  	_ =	sdelay $0x3  }
0x7b: {  	_ =	sfence.sel $0x180000  }
0x7c: {  	[bflag:$0x0] =	sbarrier.arrive $0xFFFF  }
0x7d: {  	_ =	strace $0x90000047  }
0x7e: {  	s0 =	stileid.u32;
	[bflag:$0x2] =	sbarrier.arrive $0xFFFF  }
0x7f: {  	p0 =	sne.s32 s0, $0x0;
	s0 =	rddreg [dreg:$0x2]  }
0x80: {  	s0 =	sadd.s32 @!p0 $0x100000, s0  }
0x81: {  	[sflag:s0] =	ssyncadd.tile.s32 @!p0 $0x1;
	_ =	shalt  }
.Lfunc_end2:
_tile_overlayer_lowered:
.L_overlay_start_2:
0x82: {  	(tag) =	ssettag $0x2  }
0x83: {  	s0 =	rddreg [dreg:$0x0];
	s2 =	stileid.u32  }
0x84: {  	s1 =	rddreg [dreg:$0x1];
	p0 =	sne.s32 s2, $0x0  }
0x85: {  	s3 =	rddreg [dreg:$0x2];
	[bflag:$0x3] =	sbarrier.arrive $0xFFFF;
	s2 =	simm.s32 @!p0 $0x1C02  }
0x86: {  	[timem:s3], [sflag:s2] =	dma.local @!p0 [hbm:s0], s1  }
0x87: {  	s0 =	simm.s32 @!p0 $0x2  }
0x88: {  	_ =	swait.ge @!p0 [sflag:s0], s1  }
0x89: {  	s1 =	ssub.s32 @!p0 $0x0, s1;
	[sflag:s0] =	ssyncset.done @!p0 $0x0  }
0x8a: {  	[sflag:s0] =	ssyncadd.s32 @!p0 s1  }
0x8b: {  	[bflag:$0x3] =	sbarrier.arrive $0xFFFF  }
0x8c: {  	_ =	shalt  }

// kernel: kernel.9.cloned.1.call-start
scs
__scs_entry_jumppad:
0x0: {  	(pc) =	sbr.rel $0x88, $3  }
0x1: {  	(tag) =	ssettag $0x0;
	lr =	simm.s32 $0x1  }
0x2: {  	[smem:$0x3F9B] =	sst lr;
	_ =	strace $0xD0000000  }
0x3: {  	_ = 	snop  }
0x4: {  	_ = 	snop  }
0x5: {  	_ = 	snop  }
0x6: {  	_ = 	snop  }
0x7: {  	_ = 	snop  }
__scs_overlays_trampoline_lowered:
0x8: {  	[smem:$0x3FAA] =	sst s0  }
0x9: {  	[smem:$0x3FAB] =	sst s1  }
0xa: {  	[smem:$0x3FAC] =	sst s2  }
0xb: {  	[smem:$0x3FAD] =	sst s3  }
0xc: {  	[smem:$0x3FAE] =	sst s4  }
0xd: {  	[smem:$0x3FAF] =	sst s5  }
0xe: {  	[smem:$0x3FB0] =	sst s6  }
0xf: {  	[smem:$0x3FB1] =	sst s7  }
0x10: {  	[smem:$0x3FB2] =	sst s8  }
0x11: {  	[smem:$0x3FB3] =	sst s9;
	s0 =	simm.s32 @!p0 $0x0  }
0x12: {  	s1 =	sld [smem:$0x3F99];
	s0 =	simm.s32 @p0 $0x1  }
0x13: {  	[smem:$0x3FB4] =	sst s0;
	s0 =	simm.s32 @!p1 $0x0  }
0x14: {  	s2 =	sld [smem:$0x3F98];
	s0 =	simm.s32 @p1 $0x1  }
0x15: {  	[smem:$0x3FB5] =	sst s0;
	s0 =	simm.s32 @!p2 $0x0  }
0x16: {  	s3 =	sld [smem:$0x3FDB];
	s0 =	simm.s32 @p2 $0x1  }
0x17: {  	s4 =	simm.s32 $0x1BF5;
	[smem:$0x3FB7] =	sst s0  }
0x18: {  	s0 =	sld [smem:$0x3F9A];
	_ =	swait.ge [sflag:s4], $0x0  }
0x19: {  	s7 =	sld [smem:$0x3F9B]  }
0x1a: {  	s8 =	sadd.s32 $0xFFFFE003, lr  }
0x1b: {  	s9 =	sadd.s32 $0xFFFFFEF7, lr;
	s5 =	simm.s32 $0xFFFFFFFF;
	p2 =	slt.u32 s8, $0xFFFFF086  }
0x1c: {  	p1 =	slt.u32 s9, $0xF7A;
	s5 =	simm.s32 @!p2 $0x0  }
0x1d: {  	s5 =	simm.s32 @p1 $0x1;
	p0 =	seq.s32 s7, s2  }
0x1e: {  	s7 =	smul.u32 @!p0 $0xF7A, s2;
	p2 =	seq.s32 @!p0 s5, $0x0  }
0x1f: {  	s9 =	smul.u32 $0xF7A, s1;
	s8 =	simm.s32 @!p0 $0x1BF5;
	p2 =	por !p2, p0  }
0x20: {  	[sflag:s8] =	ssyncset.s32 @!p0 $0xFFFFF086;
	s6 =	sadd.s32 @!p0 s3, s7;
	s7 =	simm.s32 @!p0 $0x108  }
0x21: {  	s3 =	sadd.s32 s3, s9;
	s6 =	sadd.s32 @!p0 $0x88, s6;
	s7 =	simm.s32 @p2 $0x1082  }
0x22: {  	[simem:s7], [sflag:s8] =	dma.local @!p0 [hbm:s6], $0xF7A  }
0x23: {  	s9 =	sor.u32 $0xD0000000, s2;
	s6 =	simm.s32 $0x108;
	_ =	swait.ge @!p0 [sflag:s8], $0x0  }
0x24: {  	s3 =	sadd.s32 $0x88, s3;
	s6 =	simm.s32 @!p1 $0x1082;
	[sflag:s4] =	ssyncset.s32 $0xFFFFF086  }
0x25: {  	[simem:s6], [sflag:s4] =	dma.local [hbm:s3], $0xF7A  }
0x26: {  	[smem:$0x3F9B] =	sst s1;
	(tag) =	ssettag s2;
	_ =	strace s9  }
0x27: {  	s1 =	sld [smem:$0x3FAB]  }
0x28: {  	s2 =	sld [smem:$0x3FAC]  }
0x29: {  	s4 =	sld [smem:$0x3FAE]  }
0x2a: {  	p0 =	seq.s32 s5, $0x0;
	s5 =	sld [smem:$0x3FAF]  }
0x2b: {  	s6 =	sld [smem:$0x3FB0]  }
0x2c: {  	s7 =	sld [smem:$0x3FB1]  }
0x2d: {  	s3 =	simm.s32 $0x108;
	s8 =	sld [smem:$0x3FB2]  }
0x2e: {  	s3 =	simm.s32 @!p0 $0x1082;
	s9 =	sld [smem:$0x3FB3]  }
0x2f: {  	lr =	sadd.s32 s0, s3;
	s0 =	sld [smem:$0x3FAA]  }
0x30: {  	s3 =	sld [smem:$0x3FAD]  }
0x31: {  	[smem:$0x3FB6] =	sst s10  }
0x32: {  	s10 =	sld [smem:$0x3FB4];
	_ =	sdelay $0x3  }
0x33: {  	p0 =	seq.s32 s10, $0x1;
	s10 =	sld [smem:$0x3FB6];
	_ =	sdelay $0x3  }
0x34: {  	[smem:$0x3FB6] =	sst s10  }
0x35: {  	s10 =	sld [smem:$0x3FB5];
	_ =	sdelay $0x3  }
0x36: {  	p1 =	seq.s32 s10, $0x1;
	s10 =	sld [smem:$0x3FB6];
	_ =	sdelay $0x3  }
0x37: {  	[smem:$0x3FB6] =	sst s10  }
0x38: {  	s10 =	sld [smem:$0x3FB7]  }
0x39: {  	_ = 	snop;
	(pc) =	sbr.ind lr, $3  }
0x3a: {  	_ = 	snop  }
0x3b: {  	_ = 	snop  }
0x3c: {  	p2 =	seq.s32 s10, $0x1;
	s10 =	sld [smem:$0x3FB6]  }
0x3d: {  	_ =	shalt  }
0x3e: {  	_ =	shalt  }
0x3f: {  	_ =	shalt  }
0x40: {  	_ =	shalt  }
0x41: {  	_ =	shalt  }
0x42: {  	_ =	shalt  }
0x43: {  	_ =	shalt  }
0x44: {  	_ =	shalt  }
0x45: {  	_ =	shalt  }
0x46: {  	_ =	shalt  }
0x47: {  	_ =	shalt  }
0x48: {  	_ =	shalt  }
0x49: {  	_ =	shalt  }
0x4a: {  	_ =	shalt  }
0x4b: {  	_ =	shalt  }
0x4c: {  	_ =	shalt  }
0x4d: {  	_ =	shalt  }
0x4e: {  	_ =	shalt  }
0x4f: {  	_ =	shalt  }
0x50: {  	_ =	shalt  }
0x51: {  	_ =	shalt  }
0x52: {  	_ =	shalt  }
0x53: {  	_ =	shalt  }
0x54: {  	_ =	shalt  }
0x55: {  	_ =	shalt  }
0x56: {  	_ =	shalt  }
0x57: {  	_ =	shalt  }
0x58: {  	_ =	shalt  }
0x59: {  	_ =	shalt  }
0x5a: {  	_ =	shalt  }
0x5b: {  	_ =	shalt  }
0x5c: {  	_ =	shalt  }
0x5d: {  	_ =	shalt  }
0x5e: {  	_ =	shalt  }
0x5f: {  	_ =	shalt  }
0x60: {  	_ =	shalt  }
0x61: {  	_ =	shalt  }
0x62: {  	_ =	shalt  }
0x63: {  	_ =	shalt  }
0x64: {  	_ =	shalt  }
0x65: {  	_ =	shalt  }
0x66: {  	_ =	shalt  }
0x67: {  	_ =	shalt  }
0x68: {  	_ =	shalt  }
0x69: {  	_ =	shalt  }
0x6a: {  	_ =	shalt  }
0x6b: {  	_ =	shalt  }
0x6c: {  	_ =	shalt  }
0x6d: {  	_ =	shalt  }
0x6e: {  	_ =	shalt  }
0x6f: {  	_ =	shalt  }
0x70: {  	_ =	shalt  }
0x71: {  	_ =	shalt  }
0x72: {  	_ =	shalt  }
0x73: {  	_ =	shalt  }
0x74: {  	_ =	shalt  }
0x75: {  	_ =	shalt  }
0x76: {  	_ =	shalt  }
0x77: {  	_ =	shalt  }
0x78: {  	_ =	shalt  }
0x79: {  	_ =	shalt  }
0x7a: {  	_ =	shalt  }
0x7b: {  	_ =	shalt  }
0x7c: {  	_ =	shalt  }
0x7d: {  	_ =	shalt  }
0x7e: {  	_ =	shalt  }
0x7f: {  	_ =	shalt  }
0x80: {  	_ =	shalt  }
0x81: {  	_ =	shalt  }
0x82: {  	_ =	shalt  }
0x83: {  	_ =	shalt  }
0x84: {  	_ =	shalt  }
0x85: {  	_ =	shalt  }
0x86: {  	_ =	shalt  }
0x87: {  	_ =	shalt  }
.Lfunc_end0:
.L_simem_size_0:
called_computation.1_lowered:
.L_overlay_start_0:
0x88: {  	s2 =	sld [smem:$0x3FD9]  }
0x89: {  	s3 =	sld [smem:$0x3FFE];
	_ =	sdelay $0x1  }
0x8a: {  	s1 =	srdreg.scid  }
0x8b: {  	s0 =	sand.u32 $0x1, s1  }
0x8c: {  	s16 =	sshll.u32 s0, $0xA;
	s2 =	sadd.s32 s3, s2  }
0x8d: {  	s2 =	sadd.s32 s2, s16  }
0x8e: {  	[smem:$0x3FC2] =	sst s2  }
0x8f: {  	_ = 	snop  }
0x90: {  	(tm) =	ssettm $0x1  }
0x91: {  	s17 =	sld [smem:$0x3FFB];
	_ =	sdelay $0x3  }
0x92: {  	_ =	strace s17  }
0x93: {  	s2 =	sld [smem:$0x3FFC];
	_ =	sdelay $0x3  }
0x94: {  	_ =	strace s2  }
0x95: {  	s2 =	sld [smem:$0x3FFD];
	_ =	sdelay $0x3  }
0x96: {  	_ =	strace s2  }
0x97: {  	_ =	strace $0x8FFFFFFF  }
0x98: {  	s18 =	sld [smem:$0x3FDB];
	_ =	sdelay $0x1  }
0x99: {  	s19 =	simm.s32 $_scs_section_size  }
0x9a: {  	s4 =	simm.s32 $_size__tile_overlayer_lowered;
	s5 =	simm.s32 $_tile_overlayer_lowered  }
0x9b: {  	s22 =	simm.s32 $0x1BFF;
	s21 =	sshll.u32 s5, $0x1;
	s2 =	sadd.s32 s19, s18  }
0x9c: {  	s6 =	simm.s32 $0x0;
	s20 =	sshll.u32 s4, $0x1;
	s4 =	sadd.s32 s21, s2  }
0x9d: {  	[timem:s6], [sflag:s22] =	dma.local [hbm:s4], s20  }
0x9e: {  	_ =	swait.ge [sflag:s22], s20  }
0x9f: {  	s3 =	ssub.s32 $0x0, s20;
	[sflag:s22] =	ssyncset.done $0x0  }
0xa0: {  	[sflag:s22] =	ssyncadd.s32 s3;
	_ =	sdelay $0x1  }
0xa1: {  	s23 =	simm.s32 $0x1B8B  }
0xa2: {  	_ =	swait.ge [sflag:s23], $0x1  }
0xa3: {  	[sflag:s23] =	ssyncset.done $0x0  }
0xa4: {  	s25 =	simm.s32 $0x1B8E;
	s24 =	sld [smem:$0x3FFE];
	[sflag:s23] =	ssyncadd.s32 $0xFFFFFFFF  }
0xa5: {  	s26 =	simm.s32 $execute0_lowered;
	[smem:$0x3FD2] =	sst s25  }
0xa6: {  	s4 =	sshll.u32 s26, $0x1;
	_ =	strace $0x80000049;
	[dreg:$0x1] =	wrdreg $0xFFFFFFFF  }
0xa7: {  	s28 =	simm.s32 $_size_execute0_lowered;
	s2 =	sadd.s32 s2, s4;
	[dreg:$0x0] =	wrdreg $0x0  }
0xa8: {  	s4 =	sshll.u32 s28, $0x1;
	[dreg:$0x2] =	wrdreg s2  }
0xa9: {  	[dreg:$0x3] =	wrdreg s4  }
0xaa: {  	[dreg:$0x4] =	wrdreg $0xC0  }
0xab: {  	_ =	task [dreg:s6], $0x5FFFF  }
0xac: {  	[dreg:$0x1] =	wrdreg $0xFFFFFFFF  }
0xad: {  	[dreg:$0x0] =	wrdreg $0x60  }
0xae: {  	[dreg:$0x2] =	wrdreg s24  }
0xaf: {  	[dreg:$0x3] =	wrdreg $0x9  }
0xb0: {  	_ =	task.clear_ibuf [dreg:s6], $0x4FFFF;
	_ =	strace $0x90000049  }
0xb1: {  	s29 =	simm.s32 $0x9;
	_ =	strace $0x8000004B  }
0xb2: {  	_ =	swait.ge [sflag:s29], $0x1  }
0xb3: {  	[sflag:s29] =	ssyncadd.s32 $0xFFFFFFFF  }
0xb4: {  	_ =	strace $0x9000004B  }
0xb5: {  	_ =	sfence  }
0xb6: {  	s30 =	sld [smem:$0x0];
	_ =	sdelay $0x2  }
0xb7: {  	s31 =	sshll.u32 s1, $0xD;
	s1 =	sshrl.u32 s1, $0x2  }
0xb8: {  	s3 =	sand.u32 $0x4000, s31;
	s1 =	sadd.s32 s1, s30  }
0xb9: {  	s0 =	sor.u32 s3, s0;
	s1 =	sshll.u32 s1, $0x11  }
0xba: {  	s0 =	sor.u32 s1, s0  }
0xbb: {  	s0 =	sadd.s32 $0x8F2B, s0  }
0xbc: {  	[sflag:s0] =	ssyncadd.remote.s32 $0x1  }
0xbd: {  	_ =	sfence.sel $0xFFFF  }
0xbe: {  	[dreg:$0x0] =	wrdreg $0xFFFFFFFF;
	(pc) =	sbr.abs _section_cstart, $3  }
0xbf: {  	[dreg:$0x1] =	wrdreg $0xFFFFFFFF  }
0xc0: {  	_ =	task.clear_ibuf [dreg:s6], $0x2FFFF;
	_ =	strace $0x9FFFFFFF  }
0xc1: {  	(tm) =	ssettm $0x7FFFFFFF  }
tec
execute0_lowered:
.L_overlay_start_1:
0x0: {  	(tag) =	ssettag $0x1  }
0x1: {  	s0 =	srdreg.scid;
	s2 =	rddreg [dreg:$0x0];
	s3 =	simm.s32 $0x0  }
0x2: {  	s5 =	stileid.u32;
	s6 =	simm.s32 $0x1000;
	[smem:$0x7FF] =	sst s3  }
0x3: {  	s10 =	simm.s32 $0x1800;
	_ =	strace $0x8000004A;
	[dreg:$0x2] =	wrdreg s6  }
0x4: {  	s11 =	simm.s32 $0x2000;
	s12 =	simm.s32 $0x2800;
	[dreg:$0x3] =	wrdreg s10  }
0x5: {  	s14 =	simm.s32 $0x3000;
	s15 =	simm.s32 $0x3800;
	[dreg:$0x4] =	wrdreg s11  }
0x6: {  	s16 =	simm.s32 $0x4000;
	s17 =	simm.s32 $0x4800;
	[dreg:$0x5] =	wrdreg s12  }
0x7: {  	s18 =	simm.s32 $0x5000;
	s19 =	simm.s32 $0x5800;
	[dreg:$0x6] =	wrdreg s14  }
0x8: {  	s20 =	simm.s32 $0x6000;
	s21 =	simm.s32 $0x6800;
	[dreg:$0x7] =	wrdreg s15  }
0x9: {  	s22 =	simm.s32 $0x7000;
	s23 =	simm.s32 $0x7800;
	[dreg:$0x8] =	wrdreg s16  }
0xa: {  	s24 =	simm.s32 $0x8000;
	s25 =	simm.s32 $0x8800;
	[dreg:$0x9] =	wrdreg s17  }
0xb: {  	s26 =	simm.s32 $0x9000;
	s28 =	simm.s32 $0xF000;
	[dreg:$0xa] =	wrdreg s18  }
0xc: {  	s29 =	simm.s32 $0xF800;
	s30 =	simm.s32 $0x10000;
	[dreg:$0xb] =	wrdreg s19  }
0xd: {  	s31 =	simm.s32 $0x1;
	s0 =	sand.u32 $0x1, s0;
	[dreg:$0xc] =	wrdreg s20  }
0xe: {  	s1 =	smul.u32 $0x180000, s5;
	s8 =	sshll.u32 s5, $0x9;
	[dreg:$0xd] =	wrdreg s21  }
0xf: {  	s5 =	sadd.s32 $0x100, s2;
	s7 =	sadd.s32 $0x300, s2;
	[dreg:$0xe] =	wrdreg s22  }
0x10: {  	s4 =	smul.u32 $0xC0000, s0;
	s9 =	sshll.u32 s0, $0x8;
	[dreg:$0xf] =	wrdreg s23  }
0x11: {  	s0 =	ssub.s32 $0x2, s0;
	s6 =	sadd.s32 $0x200, s2;
	[dreg:$0x10] =	wrdreg s24  }
0x12: {  	s10 =	sadd.s32 $0x600, s2;
	s11 =	sadd.s32 $0x700, s2;
	[dreg:$0x11] =	wrdreg s25  }
0x13: {  	s14 =	simm.s32 $0x2;
	s15 =	simm.s32 $0x800;
	[dreg:$0x12] =	wrdreg s26  }
0x14: {  	s16 =	simm.s32 $0x9800;
	s17 =	simm.s32 $0xA000;
	s18 =	simm.s32 $0xA800  }
0x15: {  	s19 =	simm.s32 $0xB000;
	s20 =	simm.s32 $0xB800;
	s21 =	simm.s32 $0xC000  }
0x16: {  	s22 =	simm.s32 $0xC800;
	s23 =	simm.s32 $0xD000;
	s24 =	simm.s32 $0xD800  }
0x17: {  	s25 =	simm.s32 $0xE000;
	s26 =	simm.s32 $0xE800;
	s13 =	sshrl.u32 s0, $0x1  }
0x18: {  	s1 =	sadd.s32 s4, s1;
	s4 =	sor.u32 s9, s8;
	s0 =	ssub.s32 s0, s13  }
0x19: {  	s1 =	sshrl.u32 s1, $0x3;
	s4 =	sadd.s32 s4, s2;
	s0 =	smax.u32 s0, $0x1  }
0x1a: {  	v2 =	vlaneseq.u32;
	s1 =	sadd.s32 s1, s2;
	s4 =	sadd.s32 $0x302000, s4;
	[dreg:$0x14] =	wrdreg s0  }
0x1b: {  	vm0 =	vmmov $0xffff;
	v1 =	vshrl.u32 v2, $0x3;
	s8 =	sadd.s32 $0x400, s2;
	[dreg:$0x13] =	wrdreg s4;
	s1 =	sadd.s32 $0x304000, s1  }
0x1c: {  	v0 =	vand.u32 $0x7, v2;
	v2 =	vor.u32 $0x8, v2;
	v1 =	vmul.u32 $0x8, v1;
	s9 =	sadd.s32 $0x500, s2;
	[dreg:$0x15] =	wrdreg s1;
	s1 =	simm.s32 $0x0  }
.LBB2_1:
0x1d: {  	[dreg:$0x16] =	wrdreg s1  }
0x1e: {  	s0 =	rddreg [dreg:$0x13]  }
0x1f: {  	[tilespmem:s3], [sflag:$0x2] =	stream.linear.gather [hbm4b:s0+s3], $0x600, $0x38;
	[tilespmem:$0x10800] =	vst v63  }
0x20: {  	_ =	swait.ge [sflag:s14], $0x600  }
0x21: {  	[sflag:s14] =	ssyncset.done $0x0  }
0x22: {  	s0 =	simm.s32 $0x0;
	s13 =	rddreg [dreg:$0x15];
	[sflag:s14] =	ssyncadd.s32 $0xFFFFFA00  }
.LBB2_2:
0x23: {  	[tilespmem:s15], [sflag:$0x2] =	stream.linear.gather [hbm4b:s13+s3], $0x10000, $0x38;
	[tilespmem:$0x10800] =	vst v63  }
0x24: {  	_ =	swait.ge [sflag:s14], $0x10000  }
0x25: {  	[sflag:s14] =	ssyncset.done $0x0  }
0x26: {  	s12 =	sshra.s32 s0, $0x2;
	[sflag:s14] =	ssyncadd.s32 $0xFFFF0000  }
0x27: {  	v3 =	vld [tilespmem:s12+$0x0];
	_ =	sdelay $0x4  }
0x28: {  	v4 =	vshll.u32 v3, $0x4  }
0x29: {  	v3 =	vand.u32 $0x7, v3;
	v4 =	vand.u32 $0xFFFFFF80, v4  }
0x2a: {  	v3 =	vor.u32 v3, v4  }
0x2b: {  	v4 =	vperm.xlane v3, v0;
	_ =	sdelay $0x1  }
0x2c: {  	v4 =	vadd.s32 v1, v4;
	_ =	sdelay $0x4  }
0x2d: {  	[hbm4b:s2+s3] =	stream.indirect_vreg.scatter [tilespmem:s15], [sflag:$0x1], $0x80, v4, vm0, $0xb8;
	[tilespmem:$0x10800] =	vst v63  }
0x2e: {  	s4 =	rddreg [dreg:$0x2]  }
0x2f: {  	[hbm4b:s5+s3] =	stream.indirect_vreg.scatter [tilespmem:s4], [sflag:$0x1], $0x80, v4, vm0, $0xb8;
	[tilespmem:$0x10800] =	vst v63  }
0x30: {  	s1 =	rddreg [dreg:$0x3]  }
0x31: {  	[hbm4b:s6+s3] =	stream.indirect_vreg.scatter [tilespmem:s1], [sflag:$0x1], $0x80, v4, vm0, $0xb8;
	[tilespmem:$0x10800] =	vst v63  }
0x32: {  	s4 =	rddreg [dreg:$0x4]  }
0x33: {  	[hbm4b:s7+s3] =	stream.indirect_vreg.scatter [tilespmem:s4], [sflag:$0x1], $0x80, v4, vm0, $0xb8;
	[tilespmem:$0x10800] =	vst v63  }
0x34: {  	s1 =	rddreg [dreg:$0x5]  }
0x35: {  	[hbm4b:s8+s3] =	stream.indirect_vreg.scatter [tilespmem:s1], [sflag:$0x1], $0x80, v4, vm0, $0xb8;
	[tilespmem:$0x10800] =	vst v63  }
0x36: {  	v3 =	vperm.xlane v3, v2;
	s4 =	rddreg [dreg:$0x6]  }
0x37: {  	[hbm4b:s9+s3] =	stream.indirect_vreg.scatter [tilespmem:s4], [sflag:$0x1], $0x80, v4, vm0, $0xb8;
	[tilespmem:$0x10800] =	vst v63  }
0x38: {  	v3 =	vadd.s32 v1, v3;
	s1 =	rddreg [dreg:$0x7]  }
0x39: {  	[hbm4b:s10+s3] =	stream.indirect_vreg.scatter [tilespmem:s1], [sflag:$0x1], $0x80, v4, vm0, $0xb8;
	[tilespmem:$0x10800] =	vst v63  }
0x3a: {  	s4 =	rddreg [dreg:$0x8]  }
0x3b: {  	[hbm4b:s11+s3] =	stream.indirect_vreg.scatter [tilespmem:s4], [sflag:$0x1], $0x80, v4, vm0, $0xb8;
	[tilespmem:$0x10800] =	vst v63  }
0x3c: {  	s1 =	rddreg [dreg:$0x9]  }
0x3d: {  	[hbm4b:s2+s3] =	stream.indirect_vreg.scatter [tilespmem:s1], [sflag:$0x1], $0x80, v3, vm0, $0xb8;
	[tilespmem:$0x10800] =	vst v63  }
0x3e: {  	s4 =	rddreg [dreg:$0xa]  }
0x3f: {  	[hbm4b:s5+s3] =	stream.indirect_vreg.scatter [tilespmem:s4], [sflag:$0x1], $0x80, v3, vm0, $0xb8;
	[tilespmem:$0x10800] =	vst v63  }
0x40: {  	s1 =	rddreg [dreg:$0xb]  }
0x41: {  	[hbm4b:s6+s3] =	stream.indirect_vreg.scatter [tilespmem:s1], [sflag:$0x1], $0x80, v3, vm0, $0xb8;
	[tilespmem:$0x10800] =	vst v63  }
0x42: {  	s4 =	rddreg [dreg:$0xc]  }
0x43: {  	[hbm4b:s7+s3] =	stream.indirect_vreg.scatter [tilespmem:s4], [sflag:$0x1], $0x80, v3, vm0, $0xb8;
	[tilespmem:$0x10800] =	vst v63  }
0x44: {  	s1 =	rddreg [dreg:$0xd]  }
0x45: {  	[hbm4b:s8+s3] =	stream.indirect_vreg.scatter [tilespmem:s1], [sflag:$0x1], $0x80, v3, vm0, $0xb8;
	[tilespmem:$0x10800] =	vst v63  }
0x46: {  	s4 =	rddreg [dreg:$0xe]  }
0x47: {  	[hbm4b:s9+s3] =	stream.indirect_vreg.scatter [tilespmem:s4], [sflag:$0x1], $0x80, v3, vm0, $0xb8;
	[tilespmem:$0x10800] =	vst v63  }
0x48: {  	s1 =	rddreg [dreg:$0xf]  }
0x49: {  	[hbm4b:s10+s3] =	stream.indirect_vreg.scatter [tilespmem:s1], [sflag:$0x1], $0x80, v3, vm0, $0xb8;
	[tilespmem:$0x10800] =	vst v63  }
0x4a: {  	s4 =	rddreg [dreg:$0x10]  }
0x4b: {  	[hbm4b:s11+s3] =	stream.indirect_vreg.scatter [tilespmem:s4], [sflag:$0x1], $0x80, v3, vm0, $0xb8;
	[tilespmem:$0x10800] =	vst v63  }
0x4c: {  	v3 =	vld [tilespmem:s12+$0x10];
	_ =	sdelay $0x4  }
0x4d: {  	v63 =	vshll.u32 v3, $0x4  }
0x4e: {  	v3 =	vand.u32 $0x7, v3;
	v4 =	vand.u32 $0xFFFFFF80, v63  }
0x4f: {  	v3 =	vor.u32 v3, v4  }
0x50: {  	v4 =	vperm.xlane v3, v0;
	_ =	sdelay $0x1  }
0x51: {  	v4 =	vadd.s32 v1, v4;
	_ =	sdelay $0x3  }
0x52: {  	s4 =	rddreg [dreg:$0x11]  }
0x53: {  	[hbm4b:s2+s3] =	stream.indirect_vreg.scatter [tilespmem:s4], [sflag:$0x1], $0x80, v4, vm0, $0xb8;
	[tilespmem:$0x10800] =	vst v63  }
0x54: {  	s12 =	rddreg [dreg:$0x12]  }
0x55: {  	[hbm4b:s5+s3] =	stream.indirect_vreg.scatter [tilespmem:s12], [sflag:$0x1], $0x80, v4, vm0, $0xb8;
	[tilespmem:$0x10800] =	vst v63  }
0x56: {  	_ = 	snop  }
0x57: {  	[hbm4b:s6+s3] =	stream.indirect_vreg.scatter [tilespmem:s16], [sflag:$0x1], $0x80, v4, vm0, $0xb8;
	[tilespmem:$0x10800] =	vst v63  }
0x58: {  	_ = 	snop  }
0x59: {  	[hbm4b:s7+s3] =	stream.indirect_vreg.scatter [tilespmem:s17], [sflag:$0x1], $0x80, v4, vm0, $0xb8;
	[tilespmem:$0x10800] =	vst v63  }
0x5a: {  	_ = 	snop  }
0x5b: {  	[hbm4b:s8+s3] =	stream.indirect_vreg.scatter [tilespmem:s18], [sflag:$0x1], $0x80, v4, vm0, $0xb8;
	[tilespmem:$0x10800] =	vst v63  }
0x5c: {  	v3 =	vperm.xlane v3, v2  }
0x5d: {  	[hbm4b:s9+s3] =	stream.indirect_vreg.scatter [tilespmem:s19], [sflag:$0x1], $0x80, v4, vm0, $0xb8;
	[tilespmem:$0x10800] =	vst v63  }
0x5e: {  	v3 =	vadd.s32 v1, v3  }
0x5f: {  	[hbm4b:s10+s3] =	stream.indirect_vreg.scatter [tilespmem:s20], [sflag:$0x1], $0x80, v4, vm0, $0xb8;
	[tilespmem:$0x10800] =	vst v63  }
0x60: {  	_ = 	snop  }
0x61: {  	[hbm4b:s11+s3] =	stream.indirect_vreg.scatter [tilespmem:s21], [sflag:$0x1], $0x80, v4, vm0, $0xb8;
	[tilespmem:$0x10800] =	vst v63  }
0x62: {  	_ = 	snop  }
0x63: {  	[hbm4b:s2+s3] =	stream.indirect_vreg.scatter [tilespmem:s22], [sflag:$0x1], $0x80, v3, vm0, $0xb8;
	[tilespmem:$0x10800] =	vst v63  }
0x64: {  	_ = 	snop  }
0x65: {  	[hbm4b:s5+s3] =	stream.indirect_vreg.scatter [tilespmem:s23], [sflag:$0x1], $0x80, v3, vm0, $0xb8;
	[tilespmem:$0x10800] =	vst v63  }
0x66: {  	_ = 	snop  }
0x67: {  	[hbm4b:s6+s3] =	stream.indirect_vreg.scatter [tilespmem:s24], [sflag:$0x1], $0x80, v3, vm0, $0xb8;
	[tilespmem:$0x10800] =	vst v63  }
0x68: {  	_ = 	snop  }
0x69: {  	[hbm4b:s7+s3] =	stream.indirect_vreg.scatter [tilespmem:s25], [sflag:$0x1], $0x80, v3, vm0, $0xb8;
	[tilespmem:$0x10800] =	vst v63  }
0x6a: {  	_ = 	snop  }
0x6b: {  	[hbm4b:s8+s3] =	stream.indirect_vreg.scatter [tilespmem:s26], [sflag:$0x1], $0x80, v3, vm0, $0xb8;
	[tilespmem:$0x10800] =	vst v63  }
0x6c: {  	_ = 	snop  }
0x6d: {  	[hbm4b:s9+s3] =	stream.indirect_vreg.scatter [tilespmem:s28], [sflag:$0x1], $0x80, v3, vm0, $0xb8;
	[tilespmem:$0x10800] =	vst v63  }
0x6e: {  	p0 =	sne.s32 s0, $0x1600  }
0x6f: {  	[hbm4b:s10+s3] =	stream.indirect_vreg.scatter [tilespmem:s29], [sflag:$0x1], $0x80, v3, vm0, $0xb8;
	[tilespmem:$0x10800] =	vst v63  }
.Ltmp0:
0x70: {  	_ = 	snop;
	(pc) =	sbr.rel @p0 .LBB2_2-.Ltmp0, $4  }
0x71: {  	[hbm4b:s11+s3] =	stream.indirect_vreg.scatter [tilespmem:s30], [sflag:$0x1], $0x80, v3, vm0, $0xb8;
	[tilespmem:$0x10800] =	vst v63  }
0x72: {  	_ =	swait.ge [sflag:s31], $0x10000  }
0x73: {  	[sflag:s31] =	ssyncset.done $0x0  }
0x74: {  	s13 =	sadd.s32 $0x2000, s13;
	s0 =	sadd.s32 $0x200, s0;
	[sflag:s31] =	ssyncadd.s32 $0xFFFF0000  }
0x75: {  	s1 =	rddreg [dreg:$0x16]  }
0x76: {  	s0 =	rddreg [dreg:$0x14];
	s1 =	sadd.s32 $0x1, s1  }
0x77: {  	p0 =	sne.s32 s1, s0  }
.Ltmp1:
0x78: {  	_ = 	snop;
	(pc) =	sbr.rel @p0 .LBB2_1-.Ltmp1, $1  }
0x79: {  	_ =	sdelay $0x3  }
0x7a: {  	_ =	sfence.sel $0x180000  }
0x7b: {  	[bflag:$0x0] =	sbarrier.arrive $0xFFFF  }
0x7c: {  	_ =	strace $0x9000004A  }
0x7d: {  	s0 =	stileid.u32;
	[bflag:$0x2] =	sbarrier.arrive $0xFFFF  }
0x7e: {  	p0 =	sne.s32 s0, $0x0;
	s0 =	rddreg [dreg:$0x1]  }
0x7f: {  	s0 =	sadd.s32 @!p0 $0x100000, s0  }
0x80: {  	[sflag:s0] =	ssyncadd.tile.s32 @!p0 $0x1;
	_ =	shalt  }
.Lfunc_end2:
_tile_overlayer_lowered:
.L_overlay_start_2:
0x81: {  	(tag) =	ssettag $0x2  }
0x82: {  	s0 =	rddreg [dreg:$0x0];
	s2 =	stileid.u32  }
0x83: {  	s1 =	rddreg [dreg:$0x1];
	p0 =	sne.s32 s2, $0x0  }
0x84: {  	s3 =	rddreg [dreg:$0x2];
	[bflag:$0x3] =	sbarrier.arrive $0xFFFF;
	s2 =	simm.s32 @!p0 $0x1C02  }
0x85: {  	[timem:s3], [sflag:s2] =	dma.local @!p0 [hbm:s0], s1  }
0x86: {  	s0 =	simm.s32 @!p0 $0x2  }
0x87: {  	_ =	swait.ge @!p0 [sflag:s0], s1  }
0x88: {  	s1 =	ssub.s32 @!p0 $0x0, s1;
	[sflag:s0] =	ssyncset.done @!p0 $0x0  }
0x89: {  	[sflag:s0] =	ssyncadd.s32 @!p0 s1  }
0x8a: {  	[bflag:$0x3] =	sbarrier.arrive $0xFFFF  }
0x8b: {  	_ =	shalt  }

</sc_bundles>
